<compile_context>
chip_gen: v7x
topology: tpu7x:2x2x1
jax: 0.10.2.dev20260603
libtpu: 0.0.44.dev20260713+nightly
codegen_flags: <defaults>
</compile_context>

<pallas_src>
import functools

import jax
import jax.numpy as jnp
from jax import lax
from jax.experimental import pallas as pl
from jax.experimental.pallas import tpu as pltpu
from jax.experimental.pallas import tpu_sc as plsc

N = 10000
E = 320000
D = 128
H = 128
G = 64
C_OUT = 19

NC = 2
NS = 16
NW = NC * NS
K = 128
CH = 80
CHS = CH // 2
EPAD = NW * CH * K
NPAD = EPAD - E
NR = N
ZR = NR // NS
BN = 5000
NBLK = N // BN


def _sc_scatter_body(edges_hbm, hs_hbm, zeros_hbm, out0_hbm, out1_hbm,
                     idx_s, idx_d, rows_a, rows_b, acc, sem_a, sem_b, sem_c):
    c = lax.axis_index("c")
    s = lax.axis_index("s")
    wid = c * NS + s
    row0 = s * ZR
    pltpu.async_copy(edges_hbm.at[1, wid], idx_d, sem_a)
    pltpu.async_copy(zeros_hbm, acc.at[pl.ds(row0, ZR)], sem_c)
    pltpu.make_async_copy(edges_hbm.at[1, wid], idx_d, sem_a).wait()
    pltpu.make_async_copy(zeros_hbm, acc.at[pl.ds(row0, ZR)], sem_c).wait()
    plsc.subcore_barrier()

    for g in range(CH // CHS):
        base = g * CHS
        pltpu.sync_copy(edges_hbm.at[0, wid, pl.ds(base, CHS)], idx_s)
        pltpu.async_copy(hs_hbm.at[idx_s.at[0]], rows_a, sem_a)

        def body(j, carry):
            i0 = 2 * j
            pltpu.async_copy(hs_hbm.at[idx_s.at[i0 + 1]], rows_b, sem_b)
            pltpu.make_async_copy(hs_hbm.at[idx_s.at[i0]], rows_a,
                                  sem_a).wait()
            pltpu.sync_copy(rows_a, acc.at[idx_d.at[base + i0]], add=True)

            @pl.when(j < CHS // 2 - 1)
            def _():
                pltpu.async_copy(hs_hbm.at[idx_s.at[i0 + 2]], rows_a, sem_a)

            pltpu.make_async_copy(hs_hbm.at[idx_s.at[i0 + 1]], rows_b,
                                  sem_b).wait()
            pltpu.sync_copy(rows_b, acc.at[idx_d.at[base + i0 + 1]], add=True)
            return carry

        lax.fori_loop(0, CHS // 2, body, 0)

    plsc.subcore_barrier()
    w0 = s * 624

    @pl.when(c == 0)
    def _():
        pltpu.sync_copy(acc.at[pl.ds(w0, 624)], out0_hbm.at[pl.ds(w0, 624)])

        @pl.when(s == NS - 1)
        def _():
            pltpu.sync_copy(acc.at[pl.ds(9984, 16)],
                            out0_hbm.at[pl.ds(9984, 16)])

    @pl.when(c == 1)
    def _():
        pltpu.sync_copy(acc.at[pl.ds(w0, 624)], out1_hbm.at[pl.ds(w0, 624)])

        @pl.when(s == NS - 1)
        def _():
            pltpu.sync_copy(acc.at[pl.ds(9984, 16)],
                            out1_hbm.at[pl.ds(9984, 16)])


_sc_scatter = functools.partial(
    pl.kernel,
    out_type=[jax.ShapeDtypeStruct((N, H), jnp.float32),
              jax.ShapeDtypeStruct((N, H), jnp.float32)],
    mesh=plsc.VectorSubcoreMesh(core_axis_name="c", subcore_axis_name="s"),
    scratch_types=[
        pltpu.VMEM((CHS, K), jnp.int32),
        pltpu.VMEM((CH, K), jnp.int32),
        pltpu.VMEM((K, H), jnp.float32),
        pltpu.VMEM((K, H), jnp.float32),
        pltpu.VMEM_SHARED((NR, H), jnp.float32),
        pltpu.SemaphoreType.DMA,
        pltpu.SemaphoreType.DMA,
        pltpu.SemaphoreType.DMA,
    ],
    compiler_params=pltpu.CompilerParams(use_tc_tiling_on_sc=False),
)(_sc_scatter_body)


def _sc_deg_body(edges_hbm, ones_hbm, zeros_hbm, out0_hbm, out1_hbm,
                 idx_d, onesb, acc, sem):
    c = lax.axis_index("c")
    s = lax.axis_index("s")
    wid = c * NS + s
    pltpu.sync_copy(edges_hbm.at[1, wid], idx_d)
    pltpu.sync_copy(ones_hbm, onesb)
    row0 = s * ZR
    pltpu.sync_copy(zeros_hbm, acc.at[pl.ds(row0, ZR)])
    plsc.subcore_barrier()

    def body(i, carry):
        pltpu.sync_copy(onesb, acc.at[idx_d.at[i]], add=True)
        return carry

    lax.fori_loop(0, CH, body, 0)
    plsc.subcore_barrier()
    w0 = s * 624

    @pl.when(c == 0)
    def _():
        pltpu.sync_copy(acc.at[pl.ds(w0, 624)], out0_hbm.at[pl.ds(w0, 624)])

        @pl.when(s == NS - 1)
        def _():
            pltpu.sync_copy(acc.at[pl.ds(9984, 16)],
                            out0_hbm.at[pl.ds(9984, 16)])

    @pl.when(c == 1)
    def _():
        pltpu.sync_copy(acc.at[pl.ds(w0, 624)], out1_hbm.at[pl.ds(w0, 624)])

        @pl.when(s == NS - 1)
        def _():
            pltpu.sync_copy(acc.at[pl.ds(9984, 16)],
                            out1_hbm.at[pl.ds(9984, 16)])


_sc_deg = functools.partial(
    pl.kernel,
    out_type=[jax.ShapeDtypeStruct((N, 16), jnp.float32),
              jax.ShapeDtypeStruct((N, 16), jnp.float32)],
    mesh=plsc.VectorSubcoreMesh(core_axis_name="c", subcore_axis_name="s"),
    scratch_types=[
        pltpu.VMEM((CH, K), jnp.int32),
        pltpu.VMEM((K, 16), jnp.float32),
        pltpu.VMEM_SHARED((NR, 16), jnp.float32),
        pltpu.SemaphoreType.DMA,
    ],
    compiler_params=pltpu.CompilerParams(use_tc_tiling_on_sc=False),
)(_sc_deg_body)


def _tc_b_body(deg0_ref, deg1_ref, x_ref, w1_ref, dis_ref, hs_ref):
    i = pl.program_id(0)
    row = i * BN + lax.broadcasted_iota(jnp.int32, (BN, 1), 0)
    padc = jnp.where(row < NPAD, 1.0, 0.0)
    deg = deg0_ref[...] + deg1_ref[...] + (1.0 - padc)
    dis = lax.rsqrt(deg)
    dis_ref[...] = dis
    xw = jnp.dot(x_ref[...], w1_ref[...], preferred_element_type=jnp.float32)
    hs_ref[...] = xw * dis[:, 0:1]


_tc_b = pl.pallas_call(
    _tc_b_body,
    grid=(NBLK,),
    in_specs=[
        pl.BlockSpec((BN, 16), lambda i: (i, 0)),
        pl.BlockSpec((BN, 16), lambda i: (i, 0)),
        pl.BlockSpec((BN, D), lambda i: (i, 0)),
        pl.BlockSpec((D, H), lambda i: (0, 0)),
    ],
    out_specs=[
        pl.BlockSpec((BN, 16), lambda i: (i, 0)),
        pl.BlockSpec((BN, H), lambda i: (i, 0)),
    ],
    out_shape=[
        jax.ShapeDtypeStruct((N, 16), jnp.float32),
        jax.ShapeDtypeStruct((N, H), jnp.float32),
    ],
)


def _tc_d_body(p0_ref, p1_ref, hs1_ref, dis_ref, b1_ref, w2_ref, hs2_ref):
    i = pl.program_id(0)
    row = i * BN + lax.broadcasted_iota(jnp.int32, (BN, 1), 0)
    self_w = jnp.where(row < NPAD, 0.0, 1.0)
    dis = dis_ref[...][:, 0:1]
    acc = p0_ref[...] + p1_ref[...] + self_w * hs1_ref[...]
    h1 = jnp.maximum(acc * dis + b1_ref[...], 0.0)
    hw = jnp.dot(h1, w2_ref[...], preferred_element_type=jnp.float32)
    hs2_ref[...] = hw * dis


_tc_d = pl.pallas_call(
    _tc_d_body,
    grid=(NBLK,),
    in_specs=[
        pl.BlockSpec((BN, H), lambda i: (i, 0)),
        pl.BlockSpec((BN, H), lambda i: (i, 0)),
        pl.BlockSpec((BN, H), lambda i: (i, 0)),
        pl.BlockSpec((BN, 16), lambda i: (i, 0)),
        pl.BlockSpec((1, H), lambda i: (0, 0)),
        pl.BlockSpec((H, H), lambda i: (0, 0)),
    ],
    out_specs=pl.BlockSpec((BN, H), lambda i: (i, 0)),
    out_shape=jax.ShapeDtypeStruct((N, H), jnp.float32),
)


def _tc_f_body(q0_ref, q1_ref, hs2_ref, dis_ref, b2_ref, batch_ref,
               wo_ref, bo_ref, out_ref, sum_ref, cnt_ref):
    g = pl.program_id(0)
    row = g * BN + lax.broadcasted_iota(jnp.int32, (BN, 1), 0)
    self_w = jnp.where(row < NPAD, 0.0, 1.0)
    dis = dis_ref[...][:, 0:1]
    h2 = ((q0_ref[...] + q1_ref[...] + self_w * hs2_ref[...])
          * dis + b2_ref[...])
    bblk = batch_ref[0]
    gids = lax.broadcasted_iota(jnp.int32, (G, BN), 0)
    oh = (gids == bblk).astype(jnp.float32)
    psum = jnp.dot(oh, h2, preferred_element_type=jnp.float32)
    pcnt = jnp.broadcast_to(jnp.sum(oh, axis=1, keepdims=True), (G, H))

    @pl.when(g == 0)
    def _():
        sum_ref[...] = jnp.zeros_like(sum_ref)
        cnt_ref[...] = jnp.zeros_like(cnt_ref)

    sum_ref[...] += psum
    cnt_ref[...] += pcnt

    @pl.when(g == NBLK - 1)
    def _():
        pooled = sum_ref[...] / jnp.maximum(cnt_ref[...], 1.0)
        out_ref[...] = (
            jnp.dot(pooled, wo_ref[...], preferred_element_type=jnp.float32)
            + bo_ref[...]
        )


_tc_f = pl.pallas_call(
    _tc_f_body,
    grid=(NBLK,),
    in_specs=[
        pl.BlockSpec((BN, H), lambda i: (i, 0)),
        pl.BlockSpec((BN, H), lambda i: (i, 0)),
        pl.BlockSpec((BN, H), lambda i: (i, 0)),
        pl.BlockSpec((BN, 16), lambda i: (i, 0)),
        pl.BlockSpec((1, H), lambda i: (0, 0)),
        pl.BlockSpec((1, 1, BN), lambda i: (i, 0, 0)),
        pl.BlockSpec((H, 128), lambda i: (0, 0)),
        pl.BlockSpec((1, 128), lambda i: (0, 0)),
    ],
    out_specs=pl.BlockSpec((G, 128), lambda i: (0, 0)),
    out_shape=jax.ShapeDtypeStruct((G, 128), jnp.float32),
    scratch_shapes=[
        pltpu.VMEM((G, H), jnp.float32),
        pltpu.VMEM((G, H), jnp.float32),
    ],
)


def kernel(x, edge_index, batch, W1, b1, W2, b2, Wo, bo):
    pad_idx = jnp.broadcast_to(jnp.arange(NPAD, dtype=jnp.int32), (2, NPAD))
    edges = jnp.concatenate([edge_index, pad_idx],
                            axis=1).reshape(2, NW, CH, K)
    zeros_h = jnp.zeros((ZR, H), jnp.float32)
    zeros16 = jnp.zeros((ZR, 16), jnp.float32)
    ones16 = jnp.ones((K, 16), jnp.float32)

    deg0, deg1 = _sc_deg(edges, ones16, zeros16)
    dis16, hs1 = _tc_b(deg0, deg1, x, W1)
    p0, p1 = _sc_scatter(edges, hs1, zeros_h)
    hs2 = _tc_d(p0, p1, hs1, dis16, b1.reshape(1, H), W2)
    q0, q1 = _sc_scatter(edges, hs2, zeros_h)
    wo_pad = jnp.pad(Wo, ((0, 0), (0, 128 - C_OUT)))
    bo_pad = jnp.pad(bo, (0, 128 - C_OUT)).reshape(1, 128)
    outp = _tc_f(q0, q1, hs2, dis16, b2.reshape(1, H),
                 batch.reshape(NBLK, 1, BN), wo_pad, bo_pad)
    return outp[:, :C_OUT]

# --- scband reference (transcript-rebuilt; emitter-appended) ---
"""Pipeline reference for scband-gcn-9345848836262 (READ-ONLY COPY).

The authoritative reference and input builder live on the scoring server;
editing this copy changes nothing except your own understanding.
"""

import jax, jax.numpy as jnp
import numpy as np

N = 10000
E = 320000
D = 128
H = 128
G = 64
C_OUT = 19


def gcn_conv(x, edge_index, W, b, num_nodes):
    # PyG GCNConv: add self-loops, symmetric normalization D^-1/2 (A+I) D^-1/2 X W + b
    src = edge_index[0]
    dst = edge_index[1]
    loop = jnp.arange(num_nodes, dtype=src.dtype)
    src = jnp.concatenate([src, loop])
    dst = jnp.concatenate([dst, loop])
    ones = jnp.ones(src.shape[0], dtype=x.dtype)
    deg = jnp.zeros(num_nodes, dtype=x.dtype).at[dst].add(ones)
    deg_inv_sqrt = jnp.where(deg > 0, 1.0 / jnp.sqrt(jnp.maximum(deg, 1e-12)), 0.0)
    norm = deg_inv_sqrt[src] * deg_inv_sqrt[dst]
    h = x @ W
    msgs = h[src] * norm[:, None]
    out = jax.ops.segment_sum(msgs, dst, num_segments=num_nodes)
    return out + b


def setup_inputs(seed: int = 0) -> dict:
    key = jax.random.key(seed)
    ks = jax.random.split(key, 10)
    x = jax.random.normal(ks[0], (N, D), dtype=jnp.float32)
    edge_index = jax.random.randint(ks[1], (2, E), 0, N, dtype=jnp.int32)
    batch = jnp.sort(jax.random.randint(ks[2], (N,), 0, G, dtype=jnp.int32))
    W1 = jax.random.normal(ks[3], (D, H), dtype=jnp.float32) * (1.0 / np.sqrt(D))
    b1 = jnp.zeros((H,), dtype=jnp.float32)
    W2 = jax.random.normal(ks[4], (H, H), dtype=jnp.float32) * (1.0 / np.sqrt(H))
    b2 = jnp.zeros((H,), dtype=jnp.float32)
    Wo = jax.random.normal(ks[5], (H, C_OUT), dtype=jnp.float32) * (1.0 / np.sqrt(H))
    bo = jnp.zeros((C_OUT,), dtype=jnp.float32)
    return {"x": x, "edge_index": edge_index, "batch": batch,
            "W1": W1, "b1": b1, "W2": W2, "b2": b2, "Wo": Wo, "bo": bo}


def reference(x, edge_index, batch, W1, b1, W2, b2, Wo, bo):
    h = gcn_conv(x, edge_index, W1, b1, N)
    h = jax.nn.relu(h)
    # F.dropout(training=...) treated as identity (eval mode) for reference
    h = gcn_conv(h, edge_index, W2, b2, N)
    # global_mean_pool over batch assignment
    counts = jax.ops.segment_sum(jnp.ones((N,), dtype=h.dtype), batch, num_segments=G)
    summed = jax.ops.segment_sum(h, batch, num_segments=G)
    pooled = summed / jnp.maximum(counts, 1.0)[:, None]
    out = pooled @ Wo + bo
    return out

if __name__ == "__main__":
    import jax
    _d = setup_inputs()
    print(jax.jit(kernel)(*tuple(_d.values())))

</pallas_src>

<mosaic_0001>
#map = affine_map<(d0, d1) -> (0, 0, 0, 0)>
#map1 = affine_map<(d0, d1) -> (0, 0)>
module attributes {stable_mosaic.version = 14 : i64} {
  func.func @_sc_scatter_body(%arg0: i32, %arg1: i32, %arg2: memref<2x32x80x128xi32, #tpu.memory_space<hbm>>, %arg3: memref<10000x128xf32, #tpu.memory_space<hbm>>, %arg4: memref<625x128xf32, #tpu.memory_space<hbm>>, %arg5: memref<10000x128xf32, #tpu.memory_space<hbm>>, %arg6: memref<10000x128xf32, #tpu.memory_space<hbm>>, %arg7: memref<40x128xi32, #tpu.memory_space<vmem>>, %arg8: memref<80x128xi32, #tpu.memory_space<vmem>>, %arg9: memref<128x128xf32, #tpu.memory_space<vmem>>, %arg10: memref<128x128xf32, #tpu.memory_space<vmem>>, %arg11: memref<10000x128xf32, #tpu.memory_space<vmem_shared>>, %arg12: memref<!tpu.dma_semaphore, #tpu.memory_space<semaphore_mem>>, %arg13: memref<!tpu.dma_semaphore, #tpu.memory_space<semaphore_mem>>, %arg14: memref<!tpu.dma_semaphore, #tpu.memory_space<semaphore_mem>>) attributes {dimension_semantics = [#tpu.dimension_semantics<core_parallel>, #tpu.dimension_semantics<subcore_parallel>], iteration_bounds = array<i64: 2, 16>, scalar_prefetch = 0 : i64, scratch_operands = 8 : i64, tpu.core_type = #tpu.core_type<sc_vector_subcore>, window_params = [{transform_indices = #map}, {transform_indices = #map1}, {transform_indices = #map1}, {transform_indices = #map1}, {transform_indices = #map1}]} {
    %mul3A = arith.constant 16 : i32
    %mul3A_0 = arith.muli %arg0, %mul3A : i32
    %add3A = arith.addi %mul3A_0, %arg1 : i32
    %mul3A_1 = arith.constant 625 : i32
    %mul3A_2 = arith.muli %arg1, %mul3A_1 : i32
    %dma_start3A = arith.constant 1 : i32
    %dma_start3A_3 = arith.constant 0 : i32
    %dma_start3A_4 = arith.constant 0 : i32
    %dma_start3A_5 = tpu.memref_slice %arg2[%dma_start3A, %add3A, %dma_start3A_3, %dma_start3A_4] : memref<2x32x80x128xi32, #tpu.memory_space<hbm>> -> memref<1x1x80x128xi32, #tpu.memory_space<hbm>>
    %dma_start3A_6 = tpu.memref_squeeze %dma_start3A_5 : memref<1x1x80x128xi32, #tpu.memory_space<hbm>> -> memref<80x128xi32, #tpu.memory_space<hbm>>
    %dma_start3A_7 = arith.constant 0 : i32
    %dma_start3A_8 = arith.constant 0 : i32
    %dma_start3A_9 = tpu.memref_slice %arg2[%dma_start3A, %add3A, %dma_start3A_7, %dma_start3A_8] : memref<2x32x80x128xi32, #tpu.memory_space<hbm>> -> memref<1x1x80x128xi32, #tpu.memory_space<hbm>>
    %dma_start3A_10 = tpu.memref_squeeze %dma_start3A_9 : memref<1x1x80x128xi32, #tpu.memory_space<hbm>> -> memref<80x128xi32, #tpu.memory_space<hbm>>
    tpu.enqueue_dma source(%dma_start3A_10 : memref<80x128xi32, #tpu.memory_space<hbm>>) target(%arg8 : memref<80x128xi32, #tpu.memory_space<vmem>>) target_semaphore(%arg12 : memref<!tpu.dma_semaphore, #tpu.memory_space<semaphore_mem>>)
    %dma_start3A_11 = arith.constant 0 : i32
    %dma_start3A_12 = tpu.memref_slice %arg11[%mul3A_2, %dma_start3A_11] : memref<10000x128xf32, #tpu.memory_space<vmem_shared>> -> memref<625x128xf32, #tpu.memory_space<vmem_shared>>
    tpu.enqueue_dma source(%arg4 : memref<625x128xf32, #tpu.memory_space<hbm>>) target(%dma_start3A_12 : memref<625x128xf32, #tpu.memory_space<vmem_shared>>) target_semaphore(%arg14 : memref<!tpu.dma_semaphore, #tpu.memory_space<semaphore_mem>>)
    %dma_wait3A = arith.constant 1 : i32
    %dma_wait3A_13 = arith.constant 0 : i32
    %dma_wait3A_14 = arith.constant 0 : i32
    %dma_wait3A_15 = tpu.memref_slice %arg2[%dma_wait3A, %add3A, %dma_wait3A_13, %dma_wait3A_14] : memref<2x32x80x128xi32, #tpu.memory_space<hbm>> -> memref<1x1x80x128xi32, #tpu.memory_space<hbm>>
    %dma_wait3A_16 = tpu.memref_squeeze %dma_wait3A_15 : memref<1x1x80x128xi32, #tpu.memory_space<hbm>> -> memref<80x128xi32, #tpu.memory_space<hbm>>
    %dma_wait3A_17 = arith.constant 0 : i32
    %dma_wait3A_18 = arith.constant 0 : i32
    %dma_wait3A_19 = tpu.memref_slice %arg2[%dma_wait3A, %add3A, %dma_wait3A_17, %dma_wait3A_18] : memref<2x32x80x128xi32, #tpu.memory_space<hbm>> -> memref<1x1x80x128xi32, #tpu.memory_space<hbm>>
    %dma_wait3A_20 = tpu.memref_squeeze %dma_wait3A_19 : memref<1x1x80x128xi32, #tpu.memory_space<hbm>> -> memref<80x128xi32, #tpu.memory_space<hbm>>
    tpu.wait_dma2 semaphore(%arg12 : memref<!tpu.dma_semaphore, #tpu.memory_space<semaphore_mem>>) src(%dma_wait3A_20 : memref<80x128xi32, #tpu.memory_space<hbm>>) dst(%arg8 : memref<80x128xi32, #tpu.memory_space<vmem>>)
    %dma_wait3A_21 = arith.constant 0 : i32
    %dma_wait3A_22 = tpu.memref_slice %arg11[%mul3A_2, %dma_wait3A_21] : memref<10000x128xf32, #tpu.memory_space<vmem_shared>> -> memref<625x128xf32, #tpu.memory_space<vmem_shared>>
    tpu.wait_dma2 semaphore(%arg14 : memref<!tpu.dma_semaphore, #tpu.memory_space<semaphore_mem>>) src(%arg4 : memref<625x128xf32, #tpu.memory_space<hbm>>) dst(%dma_wait3A_22 : memref<625x128xf32, #tpu.memory_space<vmem_shared>>)
    %barrier3A = arith.constant 0 : index
    tpu.barrier barrier_id(%barrier3A)
    %run_scoped3A = arith.constant 0 : i32
    "tpu.region"() ({
      %run_scoped3A_59 = tpu.sem_alloc : memref<!tpu.dma_semaphore, #tpu.memory_space<semaphore_mem>>
      %dma_start3A_60 = arith.constant 0 : i32
      %dma_start3A_61 = arith.constant 0 : i32
      %dma_start3A_62 = tpu.memref_slice %arg2[%run_scoped3A, %add3A, %dma_start3A_60, %dma_start3A_61] : memref<2x32x80x128xi32, #tpu.memory_space<hbm>> -> memref<1x1x40x128xi32, #tpu.memory_space<hbm>>
      %dma_start3A_63 = tpu.memref_squeeze %dma_start3A_62 : memref<1x1x40x128xi32, #tpu.memory_space<hbm>> -> memref<40x128xi32, #tpu.memory_space<hbm>>
      %dma_start3A_64 = arith.constant 0 : i32
      %dma_start3A_65 = arith.constant 0 : i32
      %dma_start3A_66 = tpu.memref_slice %arg2[%run_scoped3A, %add3A, %dma_start3A_64, %dma_start3A_65] : memref<2x32x80x128xi32, #tpu.memory_space<hbm>> -> memref<1x1x40x128xi32, #tpu.memory_space<hbm>>
      %dma_start3A_67 = tpu.memref_squeeze %dma_start3A_66 : memref<1x1x40x128xi32, #tpu.memory_space<hbm>> -> memref<40x128xi32, #tpu.memory_space<hbm>>
      tpu.enqueue_dma source(%dma_start3A_67 : memref<40x128xi32, #tpu.memory_space<hbm>>) target(%arg7 : memref<40x128xi32, #tpu.memory_space<vmem>>) target_semaphore(%run_scoped3A_59 : memref<!tpu.dma_semaphore, #tpu.memory_space<semaphore_mem>>)
      %dma_wait3A_68 = arith.constant 0 : i32
      %dma_wait3A_69 = arith.constant 0 : i32
      %dma_wait3A_70 = tpu.memref_slice %arg2[%run_scoped3A, %add3A, %dma_wait3A_68, %dma_wait3A_69] : memref<2x32x80x128xi32, #tpu.memory_space<hbm>> -> memref<1x1x40x128xi32, #tpu.memory_space<hbm>>
      %dma_wait3A_71 = tpu.memref_squeeze %dma_wait3A_70 : memref<1x1x40x128xi32, #tpu.memory_space<hbm>> -> memref<40x128xi32, #tpu.memory_space<hbm>>
      %dma_wait3A_72 = arith.constant 0 : i32
      %dma_wait3A_73 = arith.constant 0 : i32
      %dma_wait3A_74 = tpu.memref_slice %arg2[%run_scoped3A, %add3A, %dma_wait3A_72, %dma_wait3A_73] : memref<2x32x80x128xi32, #tpu.memory_space<hbm>> -> memref<1x1x40x128xi32, #tpu.memory_space<hbm>>
      %dma_wait3A_75 = tpu.memref_squeeze %dma_wait3A_74 : memref<1x1x40x128xi32, #tpu.memory_space<hbm>> -> memref<40x128xi32, #tpu.memory_space<hbm>>
      tpu.wait_dma2 semaphore(%run_scoped3A_59 : memref<!tpu.dma_semaphore, #tpu.memory_space<semaphore_mem>>) src(%dma_wait3A_75 : memref<40x128xi32, #tpu.memory_space<hbm>>) dst(%arg7 : memref<40x128xi32, #tpu.memory_space<vmem>>)
      tpu.yield
    }) : () -> ()
    %dma_start3A_23 = arith.constant 0 : i32
    %dma_start3A_24 = arith.constant 0 : i32
    %dma_start3A_25 = tpu.memref_slice %arg7[%dma_start3A_23, %dma_start3A_24] : memref<40x128xi32, #tpu.memory_space<vmem>> -> memref<1x128xi32, #tpu.memory_space<vmem>>
    %dma_start3A_26 = tpu.memref_squeeze %dma_start3A_25 : memref<1x128xi32, #tpu.memory_space<vmem>> -> memref<128xi32, #tpu.memory_space<vmem>>
    %dma_start3A_27 = arith.constant 0 : i32
    %dma_start3A_28 = arith.constant 0 : i32
    %dma_start3A_29 = tpu.memref_slice %arg3[%dma_start3A_27, %dma_start3A_28] : memref<10000x128xf32, #tpu.memory_space<hbm>> -> memref<10000x128xf32, #tpu.memory_space<hbm>>
    tpu.enqueue_indirect_dma source(%dma_start3A_29 : memref<10000x128xf32, #tpu.memory_space<hbm>>) target(%arg9 : memref<128x128xf32, #tpu.memory_space<vmem>>) offsets(%dma_start3A_26 : memref<128xi32, #tpu.memory_space<vmem>>) semaphore(%arg12 : memref<!tpu.dma_semaphore, #tpu.memory_space<semaphore_mem>>)
    %scan3A = arith.constant 0 : i32
    %scan3A_30 = arith.constant 0 : i32
    %scan3A_31 = arith.constant 20 : i32
    %scan3A_32 = arith.addi %scan3A_30, %scan3A_31 : i32
    %scan3A_33 = arith.constant 1 : i32
    scf.for %scan3A_59 = %scan3A_30 to %scan3A_32 step %scan3A_33  : i32 {
      %mul3A_60 = arith.constant 2 : i32
      %mul3A_61 = arith.muli %mul3A_60, %scan3A_59 : i32
      %add3A_62 = arith.constant 1 : i32
      %add3A_63 = arith.addi %mul3A_61, %add3A_62 : i32
      %dma_start3A_64 = arith.constant 0 : i32
      %dma_start3A_65 = tpu.memref_slice %arg7[%add3A_63, %dma_start3A_64] : memref<40x128xi32, #tpu.memory_space<vmem>> -> memref<1x128xi32, #tpu.memory_space<vmem>>
      %dma_start3A_66 = tpu.memref_squeeze %dma_start3A_65 : memref<1x128xi32, #tpu.memory_space<vmem>> -> memref<128xi32, #tpu.memory_space<vmem>>
      %dma_start3A_67 = arith.constant 0 : i32
      %dma_start3A_68 = arith.constant 0 : i32
      %dma_start3A_69 = tpu.memref_slice %arg3[%dma_start3A_67, %dma_start3A_68] : memref<10000x128xf32, #tpu.memory_space<hbm>> -> memref<10000x128xf32, #tpu.memory_space<hbm>>
      tpu.enqueue_indirect_dma source(%dma_start3A_69 : memref<10000x128xf32, #tpu.memory_space<hbm>>) target(%arg10 : memref<128x128xf32, #tpu.memory_space<vmem>>) offsets(%dma_start3A_66 : memref<128xi32, #tpu.memory_space<vmem>>) semaphore(%arg13 : memref<!tpu.dma_semaphore, #tpu.memory_space<semaphore_mem>>)
      %dma_wait3A_70 = arith.constant 0 : i32
      %dma_wait3A_71 = tpu.memref_slice %arg7[%mul3A_61, %dma_wait3A_70] : memref<40x128xi32, #tpu.memory_space<vmem>> -> memref<1x128xi32, #tpu.memory_space<vmem>>
      %dma_wait3A_72 = tpu.memref_squeeze %dma_wait3A_71 : memref<1x128xi32, #tpu.memory_space<vmem>> -> memref<128xi32, #tpu.memory_space<vmem>>
      %dma_wait3A_73 = arith.constant 0 : i32
      %dma_wait3A_74 = arith.constant 0 : i32
      %dma_wait3A_75 = tpu.memref_slice %arg3[%dma_wait3A_73, %dma_wait3A_74] : memref<10000x128xf32, #tpu.memory_space<hbm>> -> memref<10000x128xf32, #tpu.memory_space<hbm>>
      tpu.wait_indirect_dma semaphore(%arg12 : memref<!tpu.dma_semaphore, #tpu.memory_space<semaphore_mem>>) src(%dma_wait3A_75 : memref<10000x128xf32, #tpu.memory_space<hbm>>) dst(%arg9 : memref<128x128xf32, #tpu.memory_space<vmem>>)
      %add3A_76 = arith.constant 0 : i32
      %add3A_77 = arith.addi %add3A_76, %mul3A_61 : i32
      "tpu.region"() ({
        %run_scoped3A_94 = tpu.sem_alloc : memref<!tpu.dma_semaphore, #tpu.memory_space<semaphore_mem>>
        %dma_start3A_95 = arith.constant 0 : i32
        %dma_start3A_96 = tpu.memref_slice %arg8[%add3A_77, %dma_start3A_95] : memref<80x128xi32, #tpu.memory_space<vmem>> -> memref<1x128xi32, #tpu.memory_space<vmem>>
        %dma_start3A_97 = tpu.memref_squeeze %dma_start3A_96 : memref<1x128xi32, #tpu.memory_space<vmem>> -> memref<128xi32, #tpu.memory_space<vmem>>
        %dma_start3A_98 = arith.constant 0 : i32
        %dma_start3A_99 = arith.constant 0 : i32
        %dma_start3A_100 = tpu.memref_slice %arg11[%dma_start3A_98, %dma_start3A_99] : memref<10000x128xf32, #tpu.memory_space<vmem_shared>> -> memref<10000x128xf32, #tpu.memory_space<vmem_shared>>
        tpu.enqueue_indirect_dma source(%arg9 : memref<128x128xf32, #tpu.memory_space<vmem>>) target(%dma_start3A_100 : memref<10000x128xf32, #tpu.memory_space<vmem_shared>>) offsets(%dma_start3A_97 : memref<128xi32, #tpu.memory_space<vmem>>) semaphore(%run_scoped3A_94 : memref<!tpu.dma_semaphore, #tpu.memory_space<semaphore_mem>>) {add = true}
        %dma_wait3A_101 = arith.constant 0 : i32
        %dma_wait3A_102 = tpu.memref_slice %arg8[%add3A_77, %dma_wait3A_101] : memref<80x128xi32, #tpu.memory_space<vmem>> -> memref<1x128xi32, #tpu.memory_space<vmem>>
        %dma_wait3A_103 = tpu.memref_squeeze %dma_wait3A_102 : memref<1x128xi32, #tpu.memory_space<vmem>> -> memref<128xi32, #tpu.memory_space<vmem>>
        %dma_wait3A_104 = arith.constant 0 : i32
        %dma_wait3A_105 = arith.constant 0 : i32
        %dma_wait3A_106 = tpu.memref_slice %arg11[%dma_wait3A_104, %dma_wait3A_105] : memref<10000x128xf32, #tpu.memory_space<vmem_shared>> -> memref<10000x128xf32, #tpu.memory_space<vmem_shared>>
        tpu.wait_indirect_dma semaphore(%run_scoped3A_94 : memref<!tpu.dma_semaphore, #tpu.memory_space<semaphore_mem>>) src(%arg9 : memref<128x128xf32, #tpu.memory_space<vmem>>) dst(%dma_wait3A_106 : memref<10000x128xf32, #tpu.memory_space<vmem_shared>>)
        tpu.yield
      }) : () -> ()
      %lt3A = arith.constant 19 : i32
      %lt3A_78 = arith.cmpi slt, %scan3A_59, %lt3A : i32
      %convert_element_type3A_79 = arith.extui %lt3A_78 : i1 to i32
      %cond3A_80 = arith.constant 0 : i32
      %cond3A_81 = arith.cmpi ne, %convert_element_type3A_79, %cond3A_80 : i32
      scf.if %cond3A_81 {
        %add3A_94 = arith.constant 2 : i32
        %add3A_95 = arith.addi %mul3A_61, %add3A_94 : i32
        %dma_start3A_96 = arith.constant 0 : i32
        %dma_start3A_97 = tpu.memref_slice %arg7[%add3A_95, %dma_start3A_96] : memref<40x128xi32, #tpu.memory_space<vmem>> -> memref<1x128xi32, #tpu.memory_space<vmem>>
        %dma_start3A_98 = tpu.memref_squeeze %dma_start3A_97 : memref<1x128xi32, #tpu.memory_space<vmem>> -> memref<128xi32, #tpu.memory_space<vmem>>
        %dma_start3A_99 = arith.constant 0 : i32
        %dma_start3A_100 = arith.constant 0 : i32
        %dma_start3A_101 = tpu.memref_slice %arg3[%dma_start3A_99, %dma_start3A_100] : memref<10000x128xf32, #tpu.memory_space<hbm>> -> memref<10000x128xf32, #tpu.memory_space<hbm>>
        tpu.enqueue_indirect_dma source(%dma_start3A_101 : memref<10000x128xf32, #tpu.memory_space<hbm>>) target(%arg9 : memref<128x128xf32, #tpu.memory_space<vmem>>) offsets(%dma_start3A_98 : memref<128xi32, #tpu.memory_space<vmem>>) semaphore(%arg12 : memref<!tpu.dma_semaphore, #tpu.memory_space<semaphore_mem>>)
      } else {
      }
      %add3A_82 = arith.constant 1 : i32
      %add3A_83 = arith.addi %mul3A_61, %add3A_82 : i32
      %dma_wait3A_84 = arith.constant 0 : i32
      %dma_wait3A_85 = tpu.memref_slice %arg7[%add3A_83, %dma_wait3A_84] : memref<40x128xi32, #tpu.memory_space<vmem>> -> memref<1x128xi32, #tpu.memory_space<vmem>>
      %dma_wait3A_86 = tpu.memref_squeeze %dma_wait3A_85 : memref<1x128xi32, #tpu.memory_space<vmem>> -> memref<128xi32, #tpu.memory_space<vmem>>
      %dma_wait3A_87 = arith.constant 0 : i32
      %dma_wait3A_88 = arith.constant 0 : i32
      %dma_wait3A_89 = tpu.memref_slice %arg3[%dma_wait3A_87, %dma_wait3A_88] : memref<10000x128xf32, #tpu.memory_space<hbm>> -> memref<10000x128xf32, #tpu.memory_space<hbm>>
      tpu.wait_indirect_dma semaphore(%arg13 : memref<!tpu.dma_semaphore, #tpu.memory_space<semaphore_mem>>) src(%dma_wait3A_89 : memref<10000x128xf32, #tpu.memory_space<hbm>>) dst(%arg10 : memref<128x128xf32, #tpu.memory_space<vmem>>)
      %add3A_90 = arith.constant 0 : i32
      %add3A_91 = arith.addi %add3A_90, %mul3A_61 : i32
      %add3A_92 = arith.constant 1 : i32
      %add3A_93 = arith.addi %add3A_91, %add3A_92 : i32
      "tpu.region"() ({
        %run_scoped3A_94 = tpu.sem_alloc : memref<!tpu.dma_semaphore, #tpu.memory_space<semaphore_mem>>
        %dma_start3A_95 = arith.constant 0 : i32
        %dma_start3A_96 = tpu.memref_slice %arg8[%add3A_93, %dma_start3A_95] : memref<80x128xi32, #tpu.memory_space<vmem>> -> memref<1x128xi32, #tpu.memory_space<vmem>>
        %dma_start3A_97 = tpu.memref_squeeze %dma_start3A_96 : memref<1x128xi32, #tpu.memory_space<vmem>> -> memref<128xi32, #tpu.memory_space<vmem>>
        %dma_start3A_98 = arith.constant 0 : i32
        %dma_start3A_99 = arith.constant 0 : i32
        %dma_start3A_100 = tpu.memref_slice %arg11[%dma_start3A_98, %dma_start3A_99] : memref<10000x128xf32, #tpu.memory_space<vmem_shared>> -> memref<10000x128xf32, #tpu.memory_space<vmem_shared>>
        tpu.enqueue_indirect_dma source(%arg10 : memref<128x128xf32, #tpu.memory_space<vmem>>) target(%dma_start3A_100 : memref<10000x128xf32, #tpu.memory_space<vmem_shared>>) offsets(%dma_start3A_97 : memref<128xi32, #tpu.memory_space<vmem>>) semaphore(%run_scoped3A_94 : memref<!tpu.dma_semaphore, #tpu.memory_space<semaphore_mem>>) {add = true}
        %dma_wait3A_101 = arith.constant 0 : i32
        %dma_wait3A_102 = tpu.memref_slice %arg8[%add3A_93, %dma_wait3A_101] : memref<80x128xi32, #tpu.memory_space<vmem>> -> memref<1x128xi32, #tpu.memory_space<vmem>>
        %dma_wait3A_103 = tpu.memref_squeeze %dma_wait3A_102 : memref<1x128xi32, #tpu.memory_space<vmem>> -> memref<128xi32, #tpu.memory_space<vmem>>
        %dma_wait3A_104 = arith.constant 0 : i32
        %dma_wait3A_105 = arith.constant 0 : i32
        %dma_wait3A_106 = tpu.memref_slice %arg11[%dma_wait3A_104, %dma_wait3A_105] : memref<10000x128xf32, #tpu.memory_space<vmem_shared>> -> memref<10000x128xf32, #tpu.memory_space<vmem_shared>>
        tpu.wait_indirect_dma semaphore(%run_scoped3A_94 : memref<!tpu.dma_semaphore, #tpu.memory_space<semaphore_mem>>) src(%arg10 : memref<128x128xf32, #tpu.memory_space<vmem>>) dst(%dma_wait3A_106 : memref<10000x128xf32, #tpu.memory_space<vmem_shared>>)
        tpu.yield
      }) : () -> ()
    }
    %scan3A_34 = arith.constant 20 : i32
    %run_scoped3A_35 = arith.constant 0 : i32
    "tpu.region"() ({
      %run_scoped3A_59 = tpu.sem_alloc : memref<!tpu.dma_semaphore, #tpu.memory_space<semaphore_mem>>
      %dma_start3A_60 = arith.constant 40 : i32
      %dma_start3A_61 = arith.constant 0 : i32
      %dma_start3A_62 = tpu.memref_slice %arg2[%run_scoped3A_35, %add3A, %dma_start3A_60, %dma_start3A_61] : memref<2x32x80x128xi32, #tpu.memory_space<hbm>> -> memref<1x1x40x128xi32, #tpu.memory_space<hbm>>
      %dma_start3A_63 = tpu.memref_squeeze %dma_start3A_62 : memref<1x1x40x128xi32, #tpu.memory_space<hbm>> -> memref<40x128xi32, #tpu.memory_space<hbm>>
      %dma_start3A_64 = arith.constant 40 : i32
      %dma_start3A_65 = arith.constant 0 : i32
      %dma_start3A_66 = tpu.memref_slice %arg2[%run_scoped3A_35, %add3A, %dma_start3A_64, %dma_start3A_65] : memref<2x32x80x128xi32, #tpu.memory_space<hbm>> -> memref<1x1x40x128xi32, #tpu.memory_space<hbm>>
      %dma_start3A_67 = tpu.memref_squeeze %dma_start3A_66 : memref<1x1x40x128xi32, #tpu.memory_space<hbm>> -> memref<40x128xi32, #tpu.memory_space<hbm>>
      tpu.enqueue_dma source(%dma_start3A_67 : memref<40x128xi32, #tpu.memory_space<hbm>>) target(%arg7 : memref<40x128xi32, #tpu.memory_space<vmem>>) target_semaphore(%run_scoped3A_59 : memref<!tpu.dma_semaphore, #tpu.memory_space<semaphore_mem>>)
      %dma_wait3A_68 = arith.constant 40 : i32
      %dma_wait3A_69 = arith.constant 0 : i32
      %dma_wait3A_70 = tpu.memref_slice %arg2[%run_scoped3A_35, %add3A, %dma_wait3A_68, %dma_wait3A_69] : memref<2x32x80x128xi32, #tpu.memory_space<hbm>> -> memref<1x1x40x128xi32, #tpu.memory_space<hbm>>
      %dma_wait3A_71 = tpu.memref_squeeze %dma_wait3A_70 : memref<1x1x40x128xi32, #tpu.memory_space<hbm>> -> memref<40x128xi32, #tpu.memory_space<hbm>>
      %dma_wait3A_72 = arith.constant 40 : i32
      %dma_wait3A_73 = arith.constant 0 : i32
      %dma_wait3A_74 = tpu.memref_slice %arg2[%run_scoped3A_35, %add3A, %dma_wait3A_72, %dma_wait3A_73] : memref<2x32x80x128xi32, #tpu.memory_space<hbm>> -> memref<1x1x40x128xi32, #tpu.memory_space<hbm>>
      %dma_wait3A_75 = tpu.memref_squeeze %dma_wait3A_74 : memref<1x1x40x128xi32, #tpu.memory_space<hbm>> -> memref<40x128xi32, #tpu.memory_space<hbm>>
      tpu.wait_dma2 semaphore(%run_scoped3A_59 : memref<!tpu.dma_semaphore, #tpu.memory_space<semaphore_mem>>) src(%dma_wait3A_75 : memref<40x128xi32, #tpu.memory_space<hbm>>) dst(%arg7 : memref<40x128xi32, #tpu.memory_space<vmem>>)
      tpu.yield
    }) : () -> ()
    %dma_start3A_36 = arith.constant 0 : i32
    %dma_start3A_37 = arith.constant 0 : i32
    %dma_start3A_38 = tpu.memref_slice %arg7[%dma_start3A_36, %dma_start3A_37] : memref<40x128xi32, #tpu.memory_space<vmem>> -> memref<1x128xi32, #tpu.memory_space<vmem>>
    %dma_start3A_39 = tpu.memref_squeeze %dma_start3A_38 : memref<1x128xi32, #tpu.memory_space<vmem>> -> memref<128xi32, #tpu.memory_space<vmem>>
    %dma_start3A_40 = arith.constant 0 : i32
    %dma_start3A_41 = arith.constant 0 : i32
    %dma_start3A_42 = tpu.memref_slice %arg3[%dma_start3A_40, %dma_start3A_41] : memref<10000x128xf32, #tpu.memory_space<hbm>> -> memref<10000x128xf32, #tpu.memory_space<hbm>>
    tpu.enqueue_indirect_dma source(%dma_start3A_42 : memref<10000x128xf32, #tpu.memory_space<hbm>>) target(%arg9 : memref<128x128xf32, #tpu.memory_space<vmem>>) offsets(%dma_start3A_39 : memref<128xi32, #tpu.memory_space<vmem>>) semaphore(%arg12 : memref<!tpu.dma_semaphore, #tpu.memory_space<semaphore_mem>>)
    %scan3A_43 = arith.constant 0 : i32
    %scan3A_44 = arith.constant 0 : i32
    %scan3A_45 = arith.constant 20 : i32
    %scan3A_46 = arith.addi %scan3A_44, %scan3A_45 : i32
    %scan3A_47 = arith.constant 1 : i32
    scf.for %scan3A_59 = %scan3A_44 to %scan3A_46 step %scan3A_47  : i32 {
      %mul3A_60 = arith.constant 2 : i32
      %mul3A_61 = arith.muli %mul3A_60, %scan3A_59 : i32
      %add3A_62 = arith.constant 1 : i32
      %add3A_63 = arith.addi %mul3A_61, %add3A_62 : i32
      %dma_start3A_64 = arith.constant 0 : i32
      %dma_start3A_65 = tpu.memref_slice %arg7[%add3A_63, %dma_start3A_64] : memref<40x128xi32, #tpu.memory_space<vmem>> -> memref<1x128xi32, #tpu.memory_space<vmem>>
      %dma_start3A_66 = tpu.memref_squeeze %dma_start3A_65 : memref<1x128xi32, #tpu.memory_space<vmem>> -> memref<128xi32, #tpu.memory_space<vmem>>
      %dma_start3A_67 = arith.constant 0 : i32
      %dma_start3A_68 = arith.constant 0 : i32
      %dma_start3A_69 = tpu.memref_slice %arg3[%dma_start3A_67, %dma_start3A_68] : memref<10000x128xf32, #tpu.memory_space<hbm>> -> memref<10000x128xf32, #tpu.memory_space<hbm>>
      tpu.enqueue_indirect_dma source(%dma_start3A_69 : memref<10000x128xf32, #tpu.memory_space<hbm>>) target(%arg10 : memref<128x128xf32, #tpu.memory_space<vmem>>) offsets(%dma_start3A_66 : memref<128xi32, #tpu.memory_space<vmem>>) semaphore(%arg13 : memref<!tpu.dma_semaphore, #tpu.memory_space<semaphore_mem>>)
      %dma_wait3A_70 = arith.constant 0 : i32
      %dma_wait3A_71 = tpu.memref_slice %arg7[%mul3A_61, %dma_wait3A_70] : memref<40x128xi32, #tpu.memory_space<vmem>> -> memref<1x128xi32, #tpu.memory_space<vmem>>
      %dma_wait3A_72 = tpu.memref_squeeze %dma_wait3A_71 : memref<1x128xi32, #tpu.memory_space<vmem>> -> memref<128xi32, #tpu.memory_space<vmem>>
      %dma_wait3A_73 = arith.constant 0 : i32
      %dma_wait3A_74 = arith.constant 0 : i32
      %dma_wait3A_75 = tpu.memref_slice %arg3[%dma_wait3A_73, %dma_wait3A_74] : memref<10000x128xf32, #tpu.memory_space<hbm>> -> memref<10000x128xf32, #tpu.memory_space<hbm>>
      tpu.wait_indirect_dma semaphore(%arg12 : memref<!tpu.dma_semaphore, #tpu.memory_space<semaphore_mem>>) src(%dma_wait3A_75 : memref<10000x128xf32, #tpu.memory_space<hbm>>) dst(%arg9 : memref<128x128xf32, #tpu.memory_space<vmem>>)
      %add3A_76 = arith.constant 40 : i32
      %add3A_77 = arith.addi %add3A_76, %mul3A_61 : i32
      "tpu.region"() ({
        %run_scoped3A_94 = tpu.sem_alloc : memref<!tpu.dma_semaphore, #tpu.memory_space<semaphore_mem>>
        %dma_start3A_95 = arith.constant 0 : i32
        %dma_start3A_96 = tpu.memref_slice %arg8[%add3A_77, %dma_start3A_95] : memref<80x128xi32, #tpu.memory_space<vmem>> -> memref<1x128xi32, #tpu.memory_space<vmem>>
        %dma_start3A_97 = tpu.memref_squeeze %dma_start3A_96 : memref<1x128xi32, #tpu.memory_space<vmem>> -> memref<128xi32, #tpu.memory_space<vmem>>
        %dma_start3A_98 = arith.constant 0 : i32
        %dma_start3A_99 = arith.constant 0 : i32
        %dma_start3A_100 = tpu.memref_slice %arg11[%dma_start3A_98, %dma_start3A_99] : memref<10000x128xf32, #tpu.memory_space<vmem_shared>> -> memref<10000x128xf32, #tpu.memory_space<vmem_shared>>
        tpu.enqueue_indirect_dma source(%arg9 : memref<128x128xf32, #tpu.memory_space<vmem>>) target(%dma_start3A_100 : memref<10000x128xf32, #tpu.memory_space<vmem_shared>>) offsets(%dma_start3A_97 : memref<128xi32, #tpu.memory_space<vmem>>) semaphore(%run_scoped3A_94 : memref<!tpu.dma_semaphore, #tpu.memory_space<semaphore_mem>>) {add = true}
        %dma_wait3A_101 = arith.constant 0 : i32
        %dma_wait3A_102 = tpu.memref_slice %arg8[%add3A_77, %dma_wait3A_101] : memref<80x128xi32, #tpu.memory_space<vmem>> -> memref<1x128xi32, #tpu.memory_space<vmem>>
        %dma_wait3A_103 = tpu.memref_squeeze %dma_wait3A_102 : memref<1x128xi32, #tpu.memory_space<vmem>> -> memref<128xi32, #tpu.memory_space<vmem>>
        %dma_wait3A_104 = arith.constant 0 : i32
        %dma_wait3A_105 = arith.constant 0 : i32
        %dma_wait3A_106 = tpu.memref_slice %arg11[%dma_wait3A_104, %dma_wait3A_105] : memref<10000x128xf32, #tpu.memory_space<vmem_shared>> -> memref<10000x128xf32, #tpu.memory_space<vmem_shared>>
        tpu.wait_indirect_dma semaphore(%run_scoped3A_94 : memref<!tpu.dma_semaphore, #tpu.memory_space<semaphore_mem>>) src(%arg9 : memref<128x128xf32, #tpu.memory_space<vmem>>) dst(%dma_wait3A_106 : memref<10000x128xf32, #tpu.memory_space<vmem_shared>>)
        tpu.yield
      }) : () -> ()
      %lt3A = arith.constant 19 : i32
      %lt3A_78 = arith.cmpi slt, %scan3A_59, %lt3A : i32
      %convert_element_type3A_79 = arith.extui %lt3A_78 : i1 to i32
      %cond3A_80 = arith.constant 0 : i32
      %cond3A_81 = arith.cmpi ne, %convert_element_type3A_79, %cond3A_80 : i32
      scf.if %cond3A_81 {
        %add3A_94 = arith.constant 2 : i32
        %add3A_95 = arith.addi %mul3A_61, %add3A_94 : i32
        %dma_start3A_96 = arith.constant 0 : i32
        %dma_start3A_97 = tpu.memref_slice %arg7[%add3A_95, %dma_start3A_96] : memref<40x128xi32, #tpu.memory_space<vmem>> -> memref<1x128xi32, #tpu.memory_space<vmem>>
        %dma_start3A_98 = tpu.memref_squeeze %dma_start3A_97 : memref<1x128xi32, #tpu.memory_space<vmem>> -> memref<128xi32, #tpu.memory_space<vmem>>
        %dma_start3A_99 = arith.constant 0 : i32
        %dma_start3A_100 = arith.constant 0 : i32
        %dma_start3A_101 = tpu.memref_slice %arg3[%dma_start3A_99, %dma_start3A_100] : memref<10000x128xf32, #tpu.memory_space<hbm>> -> memref<10000x128xf32, #tpu.memory_space<hbm>>
        tpu.enqueue_indirect_dma source(%dma_start3A_101 : memref<10000x128xf32, #tpu.memory_space<hbm>>) target(%arg9 : memref<128x128xf32, #tpu.memory_space<vmem>>) offsets(%dma_start3A_98 : memref<128xi32, #tpu.memory_space<vmem>>) semaphore(%arg12 : memref<!tpu.dma_semaphore, #tpu.memory_space<semaphore_mem>>)
      } else {
      }
      %add3A_82 = arith.constant 1 : i32
      %add3A_83 = arith.addi %mul3A_61, %add3A_82 : i32
      %dma_wait3A_84 = arith.constant 0 : i32
      %dma_wait3A_85 = tpu.memref_slice %arg7[%add3A_83, %dma_wait3A_84] : memref<40x128xi32, #tpu.memory_space<vmem>> -> memref<1x128xi32, #tpu.memory_space<vmem>>
      %dma_wait3A_86 = tpu.memref_squeeze %dma_wait3A_85 : memref<1x128xi32, #tpu.memory_space<vmem>> -> memref<128xi32, #tpu.memory_space<vmem>>
      %dma_wait3A_87 = arith.constant 0 : i32
      %dma_wait3A_88 = arith.constant 0 : i32
      %dma_wait3A_89 = tpu.memref_slice %arg3[%dma_wait3A_87, %dma_wait3A_88] : memref<10000x128xf32, #tpu.memory_space<hbm>> -> memref<10000x128xf32, #tpu.memory_space<hbm>>
      tpu.wait_indirect_dma semaphore(%arg13 : memref<!tpu.dma_semaphore, #tpu.memory_space<semaphore_mem>>) src(%dma_wait3A_89 : memref<10000x128xf32, #tpu.memory_space<hbm>>) dst(%arg10 : memref<128x128xf32, #tpu.memory_space<vmem>>)
      %add3A_90 = arith.constant 40 : i32
      %add3A_91 = arith.addi %add3A_90, %mul3A_61 : i32
      %add3A_92 = arith.constant 1 : i32
      %add3A_93 = arith.addi %add3A_91, %add3A_92 : i32
      "tpu.region"() ({
        %run_scoped3A_94 = tpu.sem_alloc : memref<!tpu.dma_semaphore, #tpu.memory_space<semaphore_mem>>
        %dma_start3A_95 = arith.constant 0 : i32
        %dma_start3A_96 = tpu.memref_slice %arg8[%add3A_93, %dma_start3A_95] : memref<80x128xi32, #tpu.memory_space<vmem>> -> memref<1x128xi32, #tpu.memory_space<vmem>>
        %dma_start3A_97 = tpu.memref_squeeze %dma_start3A_96 : memref<1x128xi32, #tpu.memory_space<vmem>> -> memref<128xi32, #tpu.memory_space<vmem>>
        %dma_start3A_98 = arith.constant 0 : i32
        %dma_start3A_99 = arith.constant 0 : i32
        %dma_start3A_100 = tpu.memref_slice %arg11[%dma_start3A_98, %dma_start3A_99] : memref<10000x128xf32, #tpu.memory_space<vmem_shared>> -> memref<10000x128xf32, #tpu.memory_space<vmem_shared>>
        tpu.enqueue_indirect_dma source(%arg10 : memref<128x128xf32, #tpu.memory_space<vmem>>) target(%dma_start3A_100 : memref<10000x128xf32, #tpu.memory_space<vmem_shared>>) offsets(%dma_start3A_97 : memref<128xi32, #tpu.memory_space<vmem>>) semaphore(%run_scoped3A_94 : memref<!tpu.dma_semaphore, #tpu.memory_space<semaphore_mem>>) {add = true}
        %dma_wait3A_101 = arith.constant 0 : i32
        %dma_wait3A_102 = tpu.memref_slice %arg8[%add3A_93, %dma_wait3A_101] : memref<80x128xi32, #tpu.memory_space<vmem>> -> memref<1x128xi32, #tpu.memory_space<vmem>>
        %dma_wait3A_103 = tpu.memref_squeeze %dma_wait3A_102 : memref<1x128xi32, #tpu.memory_space<vmem>> -> memref<128xi32, #tpu.memory_space<vmem>>
        %dma_wait3A_104 = arith.constant 0 : i32
        %dma_wait3A_105 = arith.constant 0 : i32
        %dma_wait3A_106 = tpu.memref_slice %arg11[%dma_wait3A_104, %dma_wait3A_105] : memref<10000x128xf32, #tpu.memory_space<vmem_shared>> -> memref<10000x128xf32, #tpu.memory_space<vmem_shared>>
        tpu.wait_indirect_dma semaphore(%run_scoped3A_94 : memref<!tpu.dma_semaphore, #tpu.memory_space<semaphore_mem>>) src(%arg10 : memref<128x128xf32, #tpu.memory_space<vmem>>) dst(%dma_wait3A_106 : memref<10000x128xf32, #tpu.memory_space<vmem_shared>>)
        tpu.yield
      }) : () -> ()
    }
    %scan3A_48 = arith.constant 20 : i32
    %barrier3A_49 = arith.constant 0 : index
    tpu.barrier barrier_id(%barrier3A_49)
    %mul3A_50 = arith.constant 624 : i32
    %mul3A_51 = arith.muli %arg1, %mul3A_50 : i32
    %eq3A = arith.constant 0 : i32
    %eq3A_52 = arith.cmpi eq, %arg0, %eq3A : i32
    %convert_element_type3A = arith.extui %eq3A_52 : i1 to i32
    %cond3A = arith.constant 0 : i32
    %cond3A_53 = arith.cmpi ne, %convert_element_type3A, %cond3A : i32
    scf.if %cond3A_53 {
      "tpu.region"() ({
        %run_scoped3A_64 = tpu.sem_alloc : memref<!tpu.dma_semaphore, #tpu.memory_space<semaphore_mem>>
        %dma_start3A_65 = arith.constant 0 : i32
        %dma_start3A_66 = tpu.memref_slice %arg5[%mul3A_51, %dma_start3A_65] : memref<10000x128xf32, #tpu.memory_space<hbm>> -> memref<624x128xf32, #tpu.memory_space<hbm>>
        %dma_start3A_67 = arith.constant 0 : i32
        %dma_start3A_68 = tpu.memref_slice %arg11[%mul3A_51, %dma_start3A_67] : memref<10000x128xf32, #tpu.memory_space<vmem_shared>> -> memref<624x128xf32, #tpu.memory_space<vmem_shared>>
        tpu.enqueue_dma source(%dma_start3A_68 : memref<624x128xf32, #tpu.memory_space<vmem_shared>>) target(%dma_start3A_66 : memref<624x128xf32, #tpu.memory_space<hbm>>) target_semaphore(%run_scoped3A_64 : memref<!tpu.dma_semaphore, #tpu.memory_space<semaphore_mem>>)
        %dma_wait3A_69 = arith.constant 0 : i32
        %dma_wait3A_70 = tpu.memref_slice %arg5[%mul3A_51, %dma_wait3A_69] : memref<10000x128xf32, #tpu.memory_space<hbm>> -> memref<624x128xf32, #tpu.memory_space<hbm>>
        %dma_wait3A_71 = arith.constant 0 : i32
        %dma_wait3A_72 = tpu.memref_slice %arg11[%mul3A_51, %dma_wait3A_71] : memref<10000x128xf32, #tpu.memory_space<vmem_shared>> -> memref<624x128xf32, #tpu.memory_space<vmem_shared>>
        tpu.wait_dma2 semaphore(%run_scoped3A_64 : memref<!tpu.dma_semaphore, #tpu.memory_space<semaphore_mem>>) src(%dma_wait3A_72 : memref<624x128xf32, #tpu.memory_space<vmem_shared>>) dst(%dma_wait3A_70 : memref<624x128xf32, #tpu.memory_space<hbm>>)
        tpu.yield
      }) : () -> ()
      %eq3A_59 = arith.constant 15 : i32
      %eq3A_60 = arith.cmpi eq, %arg1, %eq3A_59 : i32
      %convert_element_type3A_61 = arith.extui %eq3A_60 : i1 to i32
      %cond3A_62 = arith.constant 0 : i32
      %cond3A_63 = arith.cmpi ne, %convert_element_type3A_61, %cond3A_62 : i32
      scf.if %cond3A_63 {
        "tpu.region"() ({
          %run_scoped3A_64 = tpu.sem_alloc : memref<!tpu.dma_semaphore, #tpu.memory_space<semaphore_mem>>
          %dma_start3A_65 = arith.constant 9984 : i32
          %dma_start3A_66 = arith.constant 0 : i32
          %dma_start3A_67 = tpu.memref_slice %arg5[%dma_start3A_65, %dma_start3A_66] : memref<10000x128xf32, #tpu.memory_space<hbm>> -> memref<16x128xf32, #tpu.memory_space<hbm>>
          %dma_start3A_68 = arith.constant 9984 : i32
          %dma_start3A_69 = arith.constant 0 : i32
          %dma_start3A_70 = tpu.memref_slice %arg11[%dma_start3A_68, %dma_start3A_69] : memref<10000x128xf32, #tpu.memory_space<vmem_shared>> -> memref<16x128xf32, #tpu.memory_space<vmem_shared>>
          tpu.enqueue_dma source(%dma_start3A_70 : memref<16x128xf32, #tpu.memory_space<vmem_shared>>) target(%dma_start3A_67 : memref<16x128xf32, #tpu.memory_space<hbm>>) target_semaphore(%run_scoped3A_64 : memref<!tpu.dma_semaphore, #tpu.memory_space<semaphore_mem>>)
          %dma_wait3A_71 = arith.constant 9984 : i32
          %dma_wait3A_72 = arith.constant 0 : i32
          %dma_wait3A_73 = tpu.memref_slice %arg5[%dma_wait3A_71, %dma_wait3A_72] : memref<10000x128xf32, #tpu.memory_space<hbm>> -> memref<16x128xf32, #tpu.memory_space<hbm>>
          %dma_wait3A_74 = arith.constant 9984 : i32
          %dma_wait3A_75 = arith.constant 0 : i32
          %dma_wait3A_76 = tpu.memref_slice %arg11[%dma_wait3A_74, %dma_wait3A_75] : memref<10000x128xf32, #tpu.memory_space<vmem_shared>> -> memref<16x128xf32, #tpu.memory_space<vmem_shared>>
          tpu.wait_dma2 semaphore(%run_scoped3A_64 : memref<!tpu.dma_semaphore, #tpu.memory_space<semaphore_mem>>) src(%dma_wait3A_76 : memref<16x128xf32, #tpu.memory_space<vmem_shared>>) dst(%dma_wait3A_73 : memref<16x128xf32, #tpu.memory_space<hbm>>)
          tpu.yield
        }) : () -> ()
      } else {
      }
    } else {
    }
    %eq3A_54 = arith.constant 1 : i32
    %eq3A_55 = arith.cmpi eq, %arg0, %eq3A_54 : i32
    %convert_element_type3A_56 = arith.extui %eq3A_55 : i1 to i32
    %cond3A_57 = arith.constant 0 : i32
    %cond3A_58 = arith.cmpi ne, %convert_element_type3A_56, %cond3A_57 : i32
    scf.if %cond3A_58 {
      "tpu.region"() ({
        %run_scoped3A_64 = tpu.sem_alloc : memref<!tpu.dma_semaphore, #tpu.memory_space<semaphore_mem>>
        %dma_start3A_65 = arith.constant 0 : i32
        %dma_start3A_66 = tpu.memref_slice %arg6[%mul3A_51, %dma_start3A_65] : memref<10000x128xf32, #tpu.memory_space<hbm>> -> memref<624x128xf32, #tpu.memory_space<hbm>>
        %dma_start3A_67 = arith.constant 0 : i32
        %dma_start3A_68 = tpu.memref_slice %arg11[%mul3A_51, %dma_start3A_67] : memref<10000x128xf32, #tpu.memory_space<vmem_shared>> -> memref<624x128xf32, #tpu.memory_space<vmem_shared>>
        tpu.enqueue_dma source(%dma_start3A_68 : memref<624x128xf32, #tpu.memory_space<vmem_shared>>) target(%dma_start3A_66 : memref<624x128xf32, #tpu.memory_space<hbm>>) target_semaphore(%run_scoped3A_64 : memref<!tpu.dma_semaphore, #tpu.memory_space<semaphore_mem>>)
        %dma_wait3A_69 = arith.constant 0 : i32
        %dma_wait3A_70 = tpu.memref_slice %arg6[%mul3A_51, %dma_wait3A_69] : memref<10000x128xf32, #tpu.memory_space<hbm>> -> memref<624x128xf32, #tpu.memory_space<hbm>>
        %dma_wait3A_71 = arith.constant 0 : i32
        %dma_wait3A_72 = tpu.memref_slice %arg11[%mul3A_51, %dma_wait3A_71] : memref<10000x128xf32, #tpu.memory_space<vmem_shared>> -> memref<624x128xf32, #tpu.memory_space<vmem_shared>>
        tpu.wait_dma2 semaphore(%run_scoped3A_64 : memref<!tpu.dma_semaphore, #tpu.memory_space<semaphore_mem>>) src(%dma_wait3A_72 : memref<624x128xf32, #tpu.memory_space<vmem_shared>>) dst(%dma_wait3A_70 : memref<624x128xf32, #tpu.memory_space<hbm>>)
        tpu.yield
      }) : () -> ()
      %eq3A_59 = arith.constant 15 : i32
      %eq3A_60 = arith.cmpi eq, %arg1, %eq3A_59 : i32
      %convert_element_type3A_61 = arith.extui %eq3A_60 : i1 to i32
      %cond3A_62 = arith.constant 0 : i32
      %cond3A_63 = arith.cmpi ne, %convert_element_type3A_61, %cond3A_62 : i32
      scf.if %cond3A_63 {
        "tpu.region"() ({
          %run_scoped3A_64 = tpu.sem_alloc : memref<!tpu.dma_semaphore, #tpu.memory_space<semaphore_mem>>
          %dma_start3A_65 = arith.constant 9984 : i32
          %dma_start3A_66 = arith.constant 0 : i32
          %dma_start3A_67 = tpu.memref_slice %arg6[%dma_start3A_65, %dma_start3A_66] : memref<10000x128xf32, #tpu.memory_space<hbm>> -> memref<16x128xf32, #tpu.memory_space<hbm>>
          %dma_start3A_68 = arith.constant 9984 : i32
          %dma_start3A_69 = arith.constant 0 : i32
          %dma_start3A_70 = tpu.memref_slice %arg11[%dma_start3A_68, %dma_start3A_69] : memref<10000x128xf32, #tpu.memory_space<vmem_shared>> -> memref<16x128xf32, #tpu.memory_space<vmem_shared>>
          tpu.enqueue_dma source(%dma_start3A_70 : memref<16x128xf32, #tpu.memory_space<vmem_shared>>) target(%dma_start3A_67 : memref<16x128xf32, #tpu.memory_space<hbm>>) target_semaphore(%run_scoped3A_64 : memref<!tpu.dma_semaphore, #tpu.memory_space<semaphore_mem>>)
          %dma_wait3A_71 = arith.constant 9984 : i32
          %dma_wait3A_72 = arith.constant 0 : i32
          %dma_wait3A_73 = tpu.memref_slice %arg6[%dma_wait3A_71, %dma_wait3A_72] : memref<10000x128xf32, #tpu.memory_space<hbm>> -> memref<16x128xf32, #tpu.memory_space<hbm>>
          %dma_wait3A_74 = arith.constant 9984 : i32
          %dma_wait3A_75 = arith.constant 0 : i32
          %dma_wait3A_76 = tpu.memref_slice %arg11[%dma_wait3A_74, %dma_wait3A_75] : memref<10000x128xf32, #tpu.memory_space<vmem_shared>> -> memref<16x128xf32, #tpu.memory_space<vmem_shared>>
          tpu.wait_dma2 semaphore(%run_scoped3A_64 : memref<!tpu.dma_semaphore, #tpu.memory_space<semaphore_mem>>) src(%dma_wait3A_76 : memref<16x128xf32, #tpu.memory_space<vmem_shared>>) dst(%dma_wait3A_73 : memref<16x128xf32, #tpu.memory_space<hbm>>)
          tpu.yield
        }) : () -> ()
      } else {
      }
    } else {
    }
    return
  }
}

#map = affine_map<(d0, d1) -> (0, 0, 0, 0)>
#map1 = affine_map<(d0, d1) -> (0, 0)>
module attributes {stable_mosaic.version = 14 : i64} {
  func.func @_sc_deg_body(%arg0: i32, %arg1: i32, %arg2: memref<2x32x80x128xi32, #tpu.memory_space<hbm>>, %arg3: memref<128x16xf32, #tpu.memory_space<hbm>>, %arg4: memref<625x16xf32, #tpu.memory_space<hbm>>, %arg5: memref<10000x16xf32, #tpu.memory_space<hbm>>, %arg6: memref<10000x16xf32, #tpu.memory_space<hbm>>, %arg7: memref<80x128xi32, #tpu.memory_space<vmem>>, %arg8: memref<128x16xf32, #tpu.memory_space<vmem>>, %arg9: memref<10000x16xf32, #tpu.memory_space<vmem_shared>>, %arg10: memref<!tpu.dma_semaphore, #tpu.memory_space<semaphore_mem>>) attributes {dimension_semantics = [#tpu.dimension_semantics<core_parallel>, #tpu.dimension_semantics<subcore_parallel>], iteration_bounds = array<i64: 2, 16>, scalar_prefetch = 0 : i64, scratch_operands = 4 : i64, tpu.core_type = #tpu.core_type<sc_vector_subcore>, window_params = [{transform_indices = #map}, {transform_indices = #map1}, {transform_indices = #map1}, {transform_indices = #map1}, {transform_indices = #map1}]} {
    %mul3A = arith.constant 16 : i32
    %mul3A_0 = arith.muli %arg0, %mul3A : i32
    %add3A = arith.addi %mul3A_0, %arg1 : i32
    %run_scoped3A = arith.constant 1 : i32
    "tpu.region"() ({
      %run_scoped3A_18 = tpu.sem_alloc : memref<!tpu.dma_semaphore, #tpu.memory_space<semaphore_mem>>
      %dma_start3A = arith.constant 0 : i32
      %dma_start3A_19 = arith.constant 0 : i32
      %dma_start3A_20 = tpu.memref_slice %arg2[%run_scoped3A, %add3A, %dma_start3A, %dma_start3A_19] : memref<2x32x80x128xi32, #tpu.memory_space<hbm>> -> memref<1x1x80x128xi32, #tpu.memory_space<hbm>>
      %dma_start3A_21 = tpu.memref_squeeze %dma_start3A_20 : memref<1x1x80x128xi32, #tpu.memory_space<hbm>> -> memref<80x128xi32, #tpu.memory_space<hbm>>
      %dma_start3A_22 = arith.constant 0 : i32
      %dma_start3A_23 = arith.constant 0 : i32
      %dma_start3A_24 = tpu.memref_slice %arg2[%run_scoped3A, %add3A, %dma_start3A_22, %dma_start3A_23] : memref<2x32x80x128xi32, #tpu.memory_space<hbm>> -> memref<1x1x80x128xi32, #tpu.memory_space<hbm>>
      %dma_start3A_25 = tpu.memref_squeeze %dma_start3A_24 : memref<1x1x80x128xi32, #tpu.memory_space<hbm>> -> memref<80x128xi32, #tpu.memory_space<hbm>>
      tpu.enqueue_dma source(%dma_start3A_25 : memref<80x128xi32, #tpu.memory_space<hbm>>) target(%arg7 : memref<80x128xi32, #tpu.memory_space<vmem>>) target_semaphore(%run_scoped3A_18 : memref<!tpu.dma_semaphore, #tpu.memory_space<semaphore_mem>>)
      %dma_wait3A = arith.constant 0 : i32
      %dma_wait3A_26 = arith.constant 0 : i32
      %dma_wait3A_27 = tpu.memref_slice %arg2[%run_scoped3A, %add3A, %dma_wait3A, %dma_wait3A_26] : memref<2x32x80x128xi32, #tpu.memory_space<hbm>> -> memref<1x1x80x128xi32, #tpu.memory_space<hbm>>
      %dma_wait3A_28 = tpu.memref_squeeze %dma_wait3A_27 : memref<1x1x80x128xi32, #tpu.memory_space<hbm>> -> memref<80x128xi32, #tpu.memory_space<hbm>>
      %dma_wait3A_29 = arith.constant 0 : i32
      %dma_wait3A_30 = arith.constant 0 : i32
      %dma_wait3A_31 = tpu.memref_slice %arg2[%run_scoped3A, %add3A, %dma_wait3A_29, %dma_wait3A_30] : memref<2x32x80x128xi32, #tpu.memory_space<hbm>> -> memref<1x1x80x128xi32, #tpu.memory_space<hbm>>
      %dma_wait3A_32 = tpu.memref_squeeze %dma_wait3A_31 : memref<1x1x80x128xi32, #tpu.memory_space<hbm>> -> memref<80x128xi32, #tpu.memory_space<hbm>>
      tpu.wait_dma2 semaphore(%run_scoped3A_18 : memref<!tpu.dma_semaphore, #tpu.memory_space<semaphore_mem>>) src(%dma_wait3A_32 : memref<80x128xi32, #tpu.memory_space<hbm>>) dst(%arg7 : memref<80x128xi32, #tpu.memory_space<vmem>>)
      tpu.yield
    }) : () -> ()
    "tpu.region"() ({
      %run_scoped3A_18 = tpu.sem_alloc : memref<!tpu.dma_semaphore, #tpu.memory_space<semaphore_mem>>
      tpu.enqueue_dma source(%arg3 : memref<128x16xf32, #tpu.memory_space<hbm>>) target(%arg8 : memref<128x16xf32, #tpu.memory_space<vmem>>) target_semaphore(%run_scoped3A_18 : memref<!tpu.dma_semaphore, #tpu.memory_space<semaphore_mem>>)
      tpu.wait_dma2 semaphore(%run_scoped3A_18 : memref<!tpu.dma_semaphore, #tpu.memory_space<semaphore_mem>>) src(%arg3 : memref<128x16xf32, #tpu.memory_space<hbm>>) dst(%arg8 : memref<128x16xf32, #tpu.memory_space<vmem>>)
      tpu.yield
    }) : () -> ()
    %mul3A_1 = arith.constant 625 : i32
    %mul3A_2 = arith.muli %arg1, %mul3A_1 : i32
    "tpu.region"() ({
      %run_scoped3A_18 = tpu.sem_alloc : memref<!tpu.dma_semaphore, #tpu.memory_space<semaphore_mem>>
      %dma_start3A = arith.constant 0 : i32
      %dma_start3A_19 = tpu.memref_slice %arg9[%mul3A_2, %dma_start3A] : memref<10000x16xf32, #tpu.memory_space<vmem_shared>> -> memref<625x16xf32, #tpu.memory_space<vmem_shared>>
      tpu.enqueue_dma source(%arg4 : memref<625x16xf32, #tpu.memory_space<hbm>>) target(%dma_start3A_19 : memref<625x16xf32, #tpu.memory_space<vmem_shared>>) target_semaphore(%run_scoped3A_18 : memref<!tpu.dma_semaphore, #tpu.memory_space<semaphore_mem>>)
      %dma_wait3A = arith.constant 0 : i32
      %dma_wait3A_20 = tpu.memref_slice %arg9[%mul3A_2, %dma_wait3A] : memref<10000x16xf32, #tpu.memory_space<vmem_shared>> -> memref<625x16xf32, #tpu.memory_space<vmem_shared>>
      tpu.wait_dma2 semaphore(%run_scoped3A_18 : memref<!tpu.dma_semaphore, #tpu.memory_space<semaphore_mem>>) src(%arg4 : memref<625x16xf32, #tpu.memory_space<hbm>>) dst(%dma_wait3A_20 : memref<625x16xf32, #tpu.memory_space<vmem_shared>>)
      tpu.yield
    }) : () -> ()
    %barrier3A = arith.constant 0 : index
    tpu.barrier barrier_id(%barrier3A)
    %scan3A = arith.constant 0 : i32
    %scan3A_3 = arith.constant 0 : i32
    %scan3A_4 = arith.constant 80 : i32
    %scan3A_5 = arith.addi %scan3A_3, %scan3A_4 : i32
    %scan3A_6 = arith.constant 1 : i32
    scf.for %scan3A_18 = %scan3A_3 to %scan3A_5 step %scan3A_6  : i32 {
      "tpu.region"() ({
        %run_scoped3A_19 = tpu.sem_alloc : memref<!tpu.dma_semaphore, #tpu.memory_space<semaphore_mem>>
        %dma_start3A = arith.constant 0 : i32
        %dma_start3A_20 = tpu.memref_slice %arg7[%scan3A_18, %dma_start3A] : memref<80x128xi32, #tpu.memory_space<vmem>> -> memref<1x128xi32, #tpu.memory_space<vmem>>
        %dma_start3A_21 = tpu.memref_squeeze %dma_start3A_20 : memref<1x128xi32, #tpu.memory_space<vmem>> -> memref<128xi32, #tpu.memory_space<vmem>>
        %dma_start3A_22 = arith.constant 0 : i32
        %dma_start3A_23 = arith.constant 0 : i32
        %dma_start3A_24 = tpu.memref_slice %arg9[%dma_start3A_22, %dma_start3A_23] : memref<10000x16xf32, #tpu.memory_space<vmem_shared>> -> memref<10000x16xf32, #tpu.memory_space<vmem_shared>>
        tpu.enqueue_indirect_dma source(%arg8 : memref<128x16xf32, #tpu.memory_space<vmem>>) target(%dma_start3A_24 : memref<10000x16xf32, #tpu.memory_space<vmem_shared>>) offsets(%dma_start3A_21 : memref<128xi32, #tpu.memory_space<vmem>>) semaphore(%run_scoped3A_19 : memref<!tpu.dma_semaphore, #tpu.memory_space<semaphore_mem>>) {add = true}
        %dma_wait3A = arith.constant 0 : i32
        %dma_wait3A_25 = tpu.memref_slice %arg7[%scan3A_18, %dma_wait3A] : memref<80x128xi32, #tpu.memory_space<vmem>> -> memref<1x128xi32, #tpu.memory_space<vmem>>
        %dma_wait3A_26 = tpu.memref_squeeze %dma_wait3A_25 : memref<1x128xi32, #tpu.memory_space<vmem>> -> memref<128xi32, #tpu.memory_space<vmem>>
        %dma_wait3A_27 = arith.constant 0 : i32
        %dma_wait3A_28 = arith.constant 0 : i32
        %dma_wait3A_29 = tpu.memref_slice %arg9[%dma_wait3A_27, %dma_wait3A_28] : memref<10000x16xf32, #tpu.memory_space<vmem_shared>> -> memref<10000x16xf32, #tpu.memory_space<vmem_shared>>
        tpu.wait_indirect_dma semaphore(%run_scoped3A_19 : memref<!tpu.dma_semaphore, #tpu.memory_space<semaphore_mem>>) src(%arg8 : memref<128x16xf32, #tpu.memory_space<vmem>>) dst(%dma_wait3A_29 : memref<10000x16xf32, #tpu.memory_space<vmem_shared>>)
        tpu.yield
      }) : () -> ()
    }
    %scan3A_7 = arith.constant 80 : i32
    %barrier3A_8 = arith.constant 0 : index
    tpu.barrier barrier_id(%barrier3A_8)
    %mul3A_9 = arith.constant 624 : i32
    %mul3A_10 = arith.muli %arg1, %mul3A_9 : i32
    %eq3A = arith.constant 0 : i32
    %eq3A_11 = arith.cmpi eq, %arg0, %eq3A : i32
    %convert_element_type3A = arith.extui %eq3A_11 : i1 to i32
    %cond3A = arith.constant 0 : i32
    %cond3A_12 = arith.cmpi ne, %convert_element_type3A, %cond3A : i32
    scf.if %cond3A_12 {
      "tpu.region"() ({
        %run_scoped3A_23 = tpu.sem_alloc : memref<!tpu.dma_semaphore, #tpu.memory_space<semaphore_mem>>
        %dma_start3A = arith.constant 0 : i32
        %dma_start3A_24 = tpu.memref_slice %arg5[%mul3A_10, %dma_start3A] : memref<10000x16xf32, #tpu.memory_space<hbm>> -> memref<624x16xf32, #tpu.memory_space<hbm>>
        %dma_start3A_25 = arith.constant 0 : i32
        %dma_start3A_26 = tpu.memref_slice %arg9[%mul3A_10, %dma_start3A_25] : memref<10000x16xf32, #tpu.memory_space<vmem_shared>> -> memref<624x16xf32, #tpu.memory_space<vmem_shared>>
        tpu.enqueue_dma source(%dma_start3A_26 : memref<624x16xf32, #tpu.memory_space<vmem_shared>>) target(%dma_start3A_24 : memref<624x16xf32, #tpu.memory_space<hbm>>) target_semaphore(%run_scoped3A_23 : memref<!tpu.dma_semaphore, #tpu.memory_space<semaphore_mem>>)
        %dma_wait3A = arith.constant 0 : i32
        %dma_wait3A_27 = tpu.memref_slice %arg5[%mul3A_10, %dma_wait3A] : memref<10000x16xf32, #tpu.memory_space<hbm>> -> memref<624x16xf32, #tpu.memory_space<hbm>>
        %dma_wait3A_28 = arith.constant 0 : i32
        %dma_wait3A_29 = tpu.memref_slice %arg9[%mul3A_10, %dma_wait3A_28] : memref<10000x16xf32, #tpu.memory_space<vmem_shared>> -> memref<624x16xf32, #tpu.memory_space<vmem_shared>>
        tpu.wait_dma2 semaphore(%run_scoped3A_23 : memref<!tpu.dma_semaphore, #tpu.memory_space<semaphore_mem>>) src(%dma_wait3A_29 : memref<624x16xf32, #tpu.memory_space<vmem_shared>>) dst(%dma_wait3A_27 : memref<624x16xf32, #tpu.memory_space<hbm>>)
        tpu.yield
      }) : () -> ()
      %eq3A_18 = arith.constant 15 : i32
      %eq3A_19 = arith.cmpi eq, %arg1, %eq3A_18 : i32
      %convert_element_type3A_20 = arith.extui %eq3A_19 : i1 to i32
      %cond3A_21 = arith.constant 0 : i32
      %cond3A_22 = arith.cmpi ne, %convert_element_type3A_20, %cond3A_21 : i32
      scf.if %cond3A_22 {
        "tpu.region"() ({
          %run_scoped3A_23 = tpu.sem_alloc : memref<!tpu.dma_semaphore, #tpu.memory_space<semaphore_mem>>
          %dma_start3A = arith.constant 9984 : i32
          %dma_start3A_24 = arith.constant 0 : i32
          %dma_start3A_25 = tpu.memref_slice %arg5[%dma_start3A, %dma_start3A_24] : memref<10000x16xf32, #tpu.memory_space<hbm>> -> memref<16x16xf32, #tpu.memory_space<hbm>>
          %dma_start3A_26 = arith.constant 9984 : i32
          %dma_start3A_27 = arith.constant 0 : i32
          %dma_start3A_28 = tpu.memref_slice %arg9[%dma_start3A_26, %dma_start3A_27] : memref<10000x16xf32, #tpu.memory_space<vmem_shared>> -> memref<16x16xf32, #tpu.memory_space<vmem_shared>>
          tpu.enqueue_dma source(%dma_start3A_28 : memref<16x16xf32, #tpu.memory_space<vmem_shared>>) target(%dma_start3A_25 : memref<16x16xf32, #tpu.memory_space<hbm>>) target_semaphore(%run_scoped3A_23 : memref<!tpu.dma_semaphore, #tpu.memory_space<semaphore_mem>>)
          %dma_wait3A = arith.constant 9984 : i32
          %dma_wait3A_29 = arith.constant 0 : i32
          %dma_wait3A_30 = tpu.memref_slice %arg5[%dma_wait3A, %dma_wait3A_29] : memref<10000x16xf32, #tpu.memory_space<hbm>> -> memref<16x16xf32, #tpu.memory_space<hbm>>
          %dma_wait3A_31 = arith.constant 9984 : i32
          %dma_wait3A_32 = arith.constant 0 : i32
          %dma_wait3A_33 = tpu.memref_slice %arg9[%dma_wait3A_31, %dma_wait3A_32] : memref<10000x16xf32, #tpu.memory_space<vmem_shared>> -> memref<16x16xf32, #tpu.memory_space<vmem_shared>>
          tpu.wait_dma2 semaphore(%run_scoped3A_23 : memref<!tpu.dma_semaphore, #tpu.memory_space<semaphore_mem>>) src(%dma_wait3A_33 : memref<16x16xf32, #tpu.memory_space<vmem_shared>>) dst(%dma_wait3A_30 : memref<16x16xf32, #tpu.memory_space<hbm>>)
          tpu.yield
        }) : () -> ()
      } else {
      }
    } else {
    }
    %eq3A_13 = arith.constant 1 : i32
    %eq3A_14 = arith.cmpi eq, %arg0, %eq3A_13 : i32
    %convert_element_type3A_15 = arith.extui %eq3A_14 : i1 to i32
    %cond3A_16 = arith.constant 0 : i32
    %cond3A_17 = arith.cmpi ne, %convert_element_type3A_15, %cond3A_16 : i32
    scf.if %cond3A_17 {
      "tpu.region"() ({
        %run_scoped3A_23 = tpu.sem_alloc : memref<!tpu.dma_semaphore, #tpu.memory_space<semaphore_mem>>
        %dma_start3A = arith.constant 0 : i32
        %dma_start3A_24 = tpu.memref_slice %arg6[%mul3A_10, %dma_start3A] : memref<10000x16xf32, #tpu.memory_space<hbm>> -> memref<624x16xf32, #tpu.memory_space<hbm>>
        %dma_start3A_25 = arith.constant 0 : i32
        %dma_start3A_26 = tpu.memref_slice %arg9[%mul3A_10, %dma_start3A_25] : memref<10000x16xf32, #tpu.memory_space<vmem_shared>> -> memref<624x16xf32, #tpu.memory_space<vmem_shared>>
        tpu.enqueue_dma source(%dma_start3A_26 : memref<624x16xf32, #tpu.memory_space<vmem_shared>>) target(%dma_start3A_24 : memref<624x16xf32, #tpu.memory_space<hbm>>) target_semaphore(%run_scoped3A_23 : memref<!tpu.dma_semaphore, #tpu.memory_space<semaphore_mem>>)
        %dma_wait3A = arith.constant 0 : i32
        %dma_wait3A_27 = tpu.memref_slice %arg6[%mul3A_10, %dma_wait3A] : memref<10000x16xf32, #tpu.memory_space<hbm>> -> memref<624x16xf32, #tpu.memory_space<hbm>>
        %dma_wait3A_28 = arith.constant 0 : i32
        %dma_wait3A_29 = tpu.memref_slice %arg9[%mul3A_10, %dma_wait3A_28] : memref<10000x16xf32, #tpu.memory_space<vmem_shared>> -> memref<624x16xf32, #tpu.memory_space<vmem_shared>>
        tpu.wait_dma2 semaphore(%run_scoped3A_23 : memref<!tpu.dma_semaphore, #tpu.memory_space<semaphore_mem>>) src(%dma_wait3A_29 : memref<624x16xf32, #tpu.memory_space<vmem_shared>>) dst(%dma_wait3A_27 : memref<624x16xf32, #tpu.memory_space<hbm>>)
        tpu.yield
      }) : () -> ()
      %eq3A_18 = arith.constant 15 : i32
      %eq3A_19 = arith.cmpi eq, %arg1, %eq3A_18 : i32
      %convert_element_type3A_20 = arith.extui %eq3A_19 : i1 to i32
      %cond3A_21 = arith.constant 0 : i32
      %cond3A_22 = arith.cmpi ne, %convert_element_type3A_20, %cond3A_21 : i32
      scf.if %cond3A_22 {
        "tpu.region"() ({
          %run_scoped3A_23 = tpu.sem_alloc : memref<!tpu.dma_semaphore, #tpu.memory_space<semaphore_mem>>
          %dma_start3A = arith.constant 9984 : i32
          %dma_start3A_24 = arith.constant 0 : i32
          %dma_start3A_25 = tpu.memref_slice %arg6[%dma_start3A, %dma_start3A_24] : memref<10000x16xf32, #tpu.memory_space<hbm>> -> memref<16x16xf32, #tpu.memory_space<hbm>>
          %dma_start3A_26 = arith.constant 9984 : i32
          %dma_start3A_27 = arith.constant 0 : i32
          %dma_start3A_28 = tpu.memref_slice %arg9[%dma_start3A_26, %dma_start3A_27] : memref<10000x16xf32, #tpu.memory_space<vmem_shared>> -> memref<16x16xf32, #tpu.memory_space<vmem_shared>>
          tpu.enqueue_dma source(%dma_start3A_28 : memref<16x16xf32, #tpu.memory_space<vmem_shared>>) target(%dma_start3A_25 : memref<16x16xf32, #tpu.memory_space<hbm>>) target_semaphore(%run_scoped3A_23 : memref<!tpu.dma_semaphore, #tpu.memory_space<semaphore_mem>>)
          %dma_wait3A = arith.constant 9984 : i32
          %dma_wait3A_29 = arith.constant 0 : i32
          %dma_wait3A_30 = tpu.memref_slice %arg6[%dma_wait3A, %dma_wait3A_29] : memref<10000x16xf32, #tpu.memory_space<hbm>> -> memref<16x16xf32, #tpu.memory_space<hbm>>
          %dma_wait3A_31 = arith.constant 9984 : i32
          %dma_wait3A_32 = arith.constant 0 : i32
          %dma_wait3A_33 = tpu.memref_slice %arg9[%dma_wait3A_31, %dma_wait3A_32] : memref<10000x16xf32, #tpu.memory_space<vmem_shared>> -> memref<16x16xf32, #tpu.memory_space<vmem_shared>>
          tpu.wait_dma2 semaphore(%run_scoped3A_23 : memref<!tpu.dma_semaphore, #tpu.memory_space<semaphore_mem>>) src(%dma_wait3A_33 : memref<16x16xf32, #tpu.memory_space<vmem_shared>>) dst(%dma_wait3A_30 : memref<16x16xf32, #tpu.memory_space<hbm>>)
          tpu.yield
        }) : () -> ()
      } else {
      }
    } else {
    }
    return
  }
}

#map = affine_map<(d0, d1) -> (0, 0, 0, 0)>
#map1 = affine_map<(d0, d1) -> (0, 0)>
module attributes {stable_mosaic.version = 14 : i64} {
  func.func @_sc_scatter_body(%arg0: i32, %arg1: i32, %arg2: memref<2x32x80x128xi32, #tpu.memory_space<hbm>>, %arg3: memref<10000x128xf32, #tpu.memory_space<hbm>>, %arg4: memref<625x128xf32, #tpu.memory_space<hbm>>, %arg5: memref<10000x128xf32, #tpu.memory_space<hbm>>, %arg6: memref<10000x128xf32, #tpu.memory_space<hbm>>, %arg7: memref<40x128xi32, #tpu.memory_space<vmem>>, %arg8: memref<80x128xi32, #tpu.memory_space<vmem>>, %arg9: memref<128x128xf32, #tpu.memory_space<vmem>>, %arg10: memref<128x128xf32, #tpu.memory_space<vmem>>, %arg11: memref<10000x128xf32, #tpu.memory_space<vmem_shared>>, %arg12: memref<!tpu.dma_semaphore, #tpu.memory_space<semaphore_mem>>, %arg13: memref<!tpu.dma_semaphore, #tpu.memory_space<semaphore_mem>>, %arg14: memref<!tpu.dma_semaphore, #tpu.memory_space<semaphore_mem>>) attributes {dimension_semantics = [#tpu.dimension_semantics<core_parallel>, #tpu.dimension_semantics<subcore_parallel>], iteration_bounds = array<i64: 2, 16>, scalar_prefetch = 0 : i64, scratch_operands = 8 : i64, tpu.core_type = #tpu.core_type<sc_vector_subcore>, window_params = [{transform_indices = #map}, {transform_indices = #map1}, {transform_indices = #map1}, {transform_indices = #map1}, {transform_indices = #map1}]} {
    %mul3A = arith.constant 16 : i32
    %mul3A_0 = arith.muli %arg0, %mul3A : i32
    %add3A = arith.addi %mul3A_0, %arg1 : i32
    %mul3A_1 = arith.constant 625 : i32
    %mul3A_2 = arith.muli %arg1, %mul3A_1 : i32
    %dma_start3A = arith.constant 1 : i32
    %dma_start3A_3 = arith.constant 0 : i32
    %dma_start3A_4 = arith.constant 0 : i32
    %dma_start3A_5 = tpu.memref_slice %arg2[%dma_start3A, %add3A, %dma_start3A_3, %dma_start3A_4] : memref<2x32x80x128xi32, #tpu.memory_space<hbm>> -> memref<1x1x80x128xi32, #tpu.memory_space<hbm>>
    %dma_start3A_6 = tpu.memref_squeeze %dma_start3A_5 : memref<1x1x80x128xi32, #tpu.memory_space<hbm>> -> memref<80x128xi32, #tpu.memory_space<hbm>>
    %dma_start3A_7 = arith.constant 0 : i32
    %dma_start3A_8 = arith.constant 0 : i32
    %dma_start3A_9 = tpu.memref_slice %arg2[%dma_start3A, %add3A, %dma_start3A_7, %dma_start3A_8] : memref<2x32x80x128xi32, #tpu.memory_space<hbm>> -> memref<1x1x80x128xi32, #tpu.memory_space<hbm>>
    %dma_start3A_10 = tpu.memref_squeeze %dma_start3A_9 : memref<1x1x80x128xi32, #tpu.memory_space<hbm>> -> memref<80x128xi32, #tpu.memory_space<hbm>>
    tpu.enqueue_dma source(%dma_start3A_10 : memref<80x128xi32, #tpu.memory_space<hbm>>) target(%arg8 : memref<80x128xi32, #tpu.memory_space<vmem>>) target_semaphore(%arg12 : memref<!tpu.dma_semaphore, #tpu.memory_space<semaphore_mem>>)
    %dma_start3A_11 = arith.constant 0 : i32
    %dma_start3A_12 = tpu.memref_slice %arg11[%mul3A_2, %dma_start3A_11] : memref<10000x128xf32, #tpu.memory_space<vmem_shared>> -> memref<625x128xf32, #tpu.memory_space<vmem_shared>>
    tpu.enqueue_dma source(%arg4 : memref<625x128xf32, #tpu.memory_space<hbm>>) target(%dma_start3A_12 : memref<625x128xf32, #tpu.memory_space<vmem_shared>>) target_semaphore(%arg14 : memref<!tpu.dma_semaphore, #tpu.memory_space<semaphore_mem>>)
    %dma_wait3A = arith.constant 1 : i32
    %dma_wait3A_13 = arith.constant 0 : i32
    %dma_wait3A_14 = arith.constant 0 : i32
    %dma_wait3A_15 = tpu.memref_slice %arg2[%dma_wait3A, %add3A, %dma_wait3A_13, %dma_wait3A_14] : memref<2x32x80x128xi32, #tpu.memory_space<hbm>> -> memref<1x1x80x128xi32, #tpu.memory_space<hbm>>
    %dma_wait3A_16 = tpu.memref_squeeze %dma_wait3A_15 : memref<1x1x80x128xi32, #tpu.memory_space<hbm>> -> memref<80x128xi32, #tpu.memory_space<hbm>>
    %dma_wait3A_17 = arith.constant 0 : i32
    %dma_wait3A_18 = arith.constant 0 : i32
    %dma_wait3A_19 = tpu.memref_slice %arg2[%dma_wait3A, %add3A, %dma_wait3A_17, %dma_wait3A_18] : memref<2x32x80x128xi32, #tpu.memory_space<hbm>> -> memref<1x1x80x128xi32, #tpu.memory_space<hbm>>
    %dma_wait3A_20 = tpu.memref_squeeze %dma_wait3A_19 : memref<1x1x80x128xi32, #tpu.memory_space<hbm>> -> memref<80x128xi32, #tpu.memory_space<hbm>>
    tpu.wait_dma2 semaphore(%arg12 : memref<!tpu.dma_semaphore, #tpu.memory_space<semaphore_mem>>) src(%dma_wait3A_20 : memref<80x128xi32, #tpu.memory_space<hbm>>) dst(%arg8 : memref<80x128xi32, #tpu.memory_space<vmem>>)
    %dma_wait3A_21 = arith.constant 0 : i32
    %dma_wait3A_22 = tpu.memref_slice %arg11[%mul3A_2, %dma_wait3A_21] : memref<10000x128xf32, #tpu.memory_space<vmem_shared>> -> memref<625x128xf32, #tpu.memory_space<vmem_shared>>
    tpu.wait_dma2 semaphore(%arg14 : memref<!tpu.dma_semaphore, #tpu.memory_space<semaphore_mem>>) src(%arg4 : memref<625x128xf32, #tpu.memory_space<hbm>>) dst(%dma_wait3A_22 : memref<625x128xf32, #tpu.memory_space<vmem_shared>>)
    %barrier3A = arith.constant 0 : index
    tpu.barrier barrier_id(%barrier3A)
    %run_scoped3A = arith.constant 0 : i32
    "tpu.region"() ({
      %run_scoped3A_59 = tpu.sem_alloc : memref<!tpu.dma_semaphore, #tpu.memory_space<semaphore_mem>>
      %dma_start3A_60 = arith.constant 0 : i32
      %dma_start3A_61 = arith.constant 0 : i32
      %dma_start3A_62 = tpu.memref_slice %arg2[%run_scoped3A, %add3A, %dma_start3A_60, %dma_start3A_61] : memref<2x32x80x128xi32, #tpu.memory_space<hbm>> -> memref<1x1x40x128xi32, #tpu.memory_space<hbm>>
      %dma_start3A_63 = tpu.memref_squeeze %dma_start3A_62 : memref<1x1x40x128xi32, #tpu.memory_space<hbm>> -> memref<40x128xi32, #tpu.memory_space<hbm>>
      %dma_start3A_64 = arith.constant 0 : i32
      %dma_start3A_65 = arith.constant 0 : i32
      %dma_start3A_66 = tpu.memref_slice %arg2[%run_scoped3A, %add3A, %dma_start3A_64, %dma_start3A_65] : memref<2x32x80x128xi32, #tpu.memory_space<hbm>> -> memref<1x1x40x128xi32, #tpu.memory_space<hbm>>
      %dma_start3A_67 = tpu.memref_squeeze %dma_start3A_66 : memref<1x1x40x128xi32, #tpu.memory_space<hbm>> -> memref<40x128xi32, #tpu.memory_space<hbm>>
      tpu.enqueue_dma source(%dma_start3A_67 : memref<40x128xi32, #tpu.memory_space<hbm>>) target(%arg7 : memref<40x128xi32, #tpu.memory_space<vmem>>) target_semaphore(%run_scoped3A_59 : memref<!tpu.dma_semaphore, #tpu.memory_space<semaphore_mem>>)
      %dma_wait3A_68 = arith.constant 0 : i32
      %dma_wait3A_69 = arith.constant 0 : i32
      %dma_wait3A_70 = tpu.memref_slice %arg2[%run_scoped3A, %add3A, %dma_wait3A_68, %dma_wait3A_69] : memref<2x32x80x128xi32, #tpu.memory_space<hbm>> -> memref<1x1x40x128xi32, #tpu.memory_space<hbm>>
      %dma_wait3A_71 = tpu.memref_squeeze %dma_wait3A_70 : memref<1x1x40x128xi32, #tpu.memory_space<hbm>> -> memref<40x128xi32, #tpu.memory_space<hbm>>
      %dma_wait3A_72 = arith.constant 0 : i32
      %dma_wait3A_73 = arith.constant 0 : i32
      %dma_wait3A_74 = tpu.memref_slice %arg2[%run_scoped3A, %add3A, %dma_wait3A_72, %dma_wait3A_73] : memref<2x32x80x128xi32, #tpu.memory_space<hbm>> -> memref<1x1x40x128xi32, #tpu.memory_space<hbm>>
      %dma_wait3A_75 = tpu.memref_squeeze %dma_wait3A_74 : memref<1x1x40x128xi32, #tpu.memory_space<hbm>> -> memref<40x128xi32, #tpu.memory_space<hbm>>
      tpu.wait_dma2 semaphore(%run_scoped3A_59 : memref<!tpu.dma_semaphore, #tpu.memory_space<semaphore_mem>>) src(%dma_wait3A_75 : memref<40x128xi32, #tpu.memory_space<hbm>>) dst(%arg7 : memref<40x128xi32, #tpu.memory_space<vmem>>)
      tpu.yield
    }) : () -> ()
    %dma_start3A_23 = arith.constant 0 : i32
    %dma_start3A_24 = arith.constant 0 : i32
    %dma_start3A_25 = tpu.memref_slice %arg7[%dma_start3A_23, %dma_start3A_24] : memref<40x128xi32, #tpu.memory_space<vmem>> -> memref<1x128xi32, #tpu.memory_space<vmem>>
    %dma_start3A_26 = tpu.memref_squeeze %dma_start3A_25 : memref<1x128xi32, #tpu.memory_space<vmem>> -> memref<128xi32, #tpu.memory_space<vmem>>
    %dma_start3A_27 = arith.constant 0 : i32
    %dma_start3A_28 = arith.constant 0 : i32
    %dma_start3A_29 = tpu.memref_slice %arg3[%dma_start3A_27, %dma_start3A_28] : memref<10000x128xf32, #tpu.memory_space<hbm>> -> memref<10000x128xf32, #tpu.memory_space<hbm>>
    tpu.enqueue_indirect_dma source(%dma_start3A_29 : memref<10000x128xf32, #tpu.memory_space<hbm>>) target(%arg9 : memref<128x128xf32, #tpu.memory_space<vmem>>) offsets(%dma_start3A_26 : memref<128xi32, #tpu.memory_space<vmem>>) semaphore(%arg12 : memref<!tpu.dma_semaphore, #tpu.memory_space<semaphore_mem>>)
    %scan3A = arith.constant 0 : i32
    %scan3A_30 = arith.constant 0 : i32
    %scan3A_31 = arith.constant 20 : i32
    %scan3A_32 = arith.addi %scan3A_30, %scan3A_31 : i32
    %scan3A_33 = arith.constant 1 : i32
    scf.for %scan3A_59 = %scan3A_30 to %scan3A_32 step %scan3A_33  : i32 {
      %mul3A_60 = arith.constant 2 : i32
      %mul3A_61 = arith.muli %mul3A_60, %scan3A_59 : i32
      %add3A_62 = arith.constant 1 : i32
      %add3A_63 = arith.addi %mul3A_61, %add3A_62 : i32
      %dma_start3A_64 = arith.constant 0 : i32
      %dma_start3A_65 = tpu.memref_slice %arg7[%add3A_63, %dma_start3A_64] : memref<40x128xi32, #tpu.memory_space<vmem>> -> memref<1x128xi32, #tpu.memory_space<vmem>>
      %dma_start3A_66 = tpu.memref_squeeze %dma_start3A_65 : memref<1x128xi32, #tpu.memory_space<vmem>> -> memref<128xi32, #tpu.memory_space<vmem>>
      %dma_start3A_67 = arith.constant 0 : i32
      %dma_start3A_68 = arith.constant 0 : i32
      %dma_start3A_69 = tpu.memref_slice %arg3[%dma_start3A_67, %dma_start3A_68] : memref<10000x128xf32, #tpu.memory_space<hbm>> -> memref<10000x128xf32, #tpu.memory_space<hbm>>
      tpu.enqueue_indirect_dma source(%dma_start3A_69 : memref<10000x128xf32, #tpu.memory_space<hbm>>) target(%arg10 : memref<128x128xf32, #tpu.memory_space<vmem>>) offsets(%dma_start3A_66 : memref<128xi32, #tpu.memory_space<vmem>>) semaphore(%arg13 : memref<!tpu.dma_semaphore, #tpu.memory_space<semaphore_mem>>)
      %dma_wait3A_70 = arith.constant 0 : i32
      %dma_wait3A_71 = tpu.memref_slice %arg7[%mul3A_61, %dma_wait3A_70] : memref<40x128xi32, #tpu.memory_space<vmem>> -> memref<1x128xi32, #tpu.memory_space<vmem>>
      %dma_wait3A_72 = tpu.memref_squeeze %dma_wait3A_71 : memref<1x128xi32, #tpu.memory_space<vmem>> -> memref<128xi32, #tpu.memory_space<vmem>>
      %dma_wait3A_73 = arith.constant 0 : i32
      %dma_wait3A_74 = arith.constant 0 : i32
      %dma_wait3A_75 = tpu.memref_slice %arg3[%dma_wait3A_73, %dma_wait3A_74] : memref<10000x128xf32, #tpu.memory_space<hbm>> -> memref<10000x128xf32, #tpu.memory_space<hbm>>
      tpu.wait_indirect_dma semaphore(%arg12 : memref<!tpu.dma_semaphore, #tpu.memory_space<semaphore_mem>>) src(%dma_wait3A_75 : memref<10000x128xf32, #tpu.memory_space<hbm>>) dst(%arg9 : memref<128x128xf32, #tpu.memory_space<vmem>>)
      %add3A_76 = arith.constant 0 : i32
      %add3A_77 = arith.addi %add3A_76, %mul3A_61 : i32
      "tpu.region"() ({
        %run_scoped3A_94 = tpu.sem_alloc : memref<!tpu.dma_semaphore, #tpu.memory_space<semaphore_mem>>
        %dma_start3A_95 = arith.constant 0 : i32
        %dma_start3A_96 = tpu.memref_slice %arg8[%add3A_77, %dma_start3A_95] : memref<80x128xi32, #tpu.memory_space<vmem>> -> memref<1x128xi32, #tpu.memory_space<vmem>>
        %dma_start3A_97 = tpu.memref_squeeze %dma_start3A_96 : memref<1x128xi32, #tpu.memory_space<vmem>> -> memref<128xi32, #tpu.memory_space<vmem>>
        %dma_start3A_98 = arith.constant 0 : i32
        %dma_start3A_99 = arith.constant 0 : i32
        %dma_start3A_100 = tpu.memref_slice %arg11[%dma_start3A_98, %dma_start3A_99] : memref<10000x128xf32, #tpu.memory_space<vmem_shared>> -> memref<10000x128xf32, #tpu.memory_space<vmem_shared>>
        tpu.enqueue_indirect_dma source(%arg9 : memref<128x128xf32, #tpu.memory_space<vmem>>) target(%dma_start3A_100 : memref<10000x128xf32, #tpu.memory_space<vmem_shared>>) offsets(%dma_start3A_97 : memref<128xi32, #tpu.memory_space<vmem>>) semaphore(%run_scoped3A_94 : memref<!tpu.dma_semaphore, #tpu.memory_space<semaphore_mem>>) {add = true}
        %dma_wait3A_101 = arith.constant 0 : i32
        %dma_wait3A_102 = tpu.memref_slice %arg8[%add3A_77, %dma_wait3A_101] : memref<80x128xi32, #tpu.memory_space<vmem>> -> memref<1x128xi32, #tpu.memory_space<vmem>>
        %dma_wait3A_103 = tpu.memref_squeeze %dma_wait3A_102 : memref<1x128xi32, #tpu.memory_space<vmem>> -> memref<128xi32, #tpu.memory_space<vmem>>
        %dma_wait3A_104 = arith.constant 0 : i32
        %dma_wait3A_105 = arith.constant 0 : i32
        %dma_wait3A_106 = tpu.memref_slice %arg11[%dma_wait3A_104, %dma_wait3A_105] : memref<10000x128xf32, #tpu.memory_space<vmem_shared>> -> memref<10000x128xf32, #tpu.memory_space<vmem_shared>>
        tpu.wait_indirect_dma semaphore(%run_scoped3A_94 : memref<!tpu.dma_semaphore, #tpu.memory_space<semaphore_mem>>) src(%arg9 : memref<128x128xf32, #tpu.memory_space<vmem>>) dst(%dma_wait3A_106 : memref<10000x128xf32, #tpu.memory_space<vmem_shared>>)
        tpu.yield
      }) : () -> ()
      %lt3A = arith.constant 19 : i32
      %lt3A_78 = arith.cmpi slt, %scan3A_59, %lt3A : i32
      %convert_element_type3A_79 = arith.extui %lt3A_78 : i1 to i32
      %cond3A_80 = arith.constant 0 : i32
      %cond3A_81 = arith.cmpi ne, %convert_element_type3A_79, %cond3A_80 : i32
      scf.if %cond3A_81 {
        %add3A_94 = arith.constant 2 : i32
        %add3A_95 = arith.addi %mul3A_61, %add3A_94 : i32
        %dma_start3A_96 = arith.constant 0 : i32
        %dma_start3A_97 = tpu.memref_slice %arg7[%add3A_95, %dma_start3A_96] : memref<40x128xi32, #tpu.memory_space<vmem>> -> memref<1x128xi32, #tpu.memory_space<vmem>>
        %dma_start3A_98 = tpu.memref_squeeze %dma_start3A_97 : memref<1x128xi32, #tpu.memory_space<vmem>> -> memref<128xi32, #tpu.memory_space<vmem>>
        %dma_start3A_99 = arith.constant 0 : i32
        %dma_start3A_100 = arith.constant 0 : i32
        %dma_start3A_101 = tpu.memref_slice %arg3[%dma_start3A_99, %dma_start3A_100] : memref<10000x128xf32, #tpu.memory_space<hbm>> -> memref<10000x128xf32, #tpu.memory_space<hbm>>
        tpu.enqueue_indirect_dma source(%dma_start3A_101 : memref<10000x128xf32, #tpu.memory_space<hbm>>) target(%arg9 : memref<128x128xf32, #tpu.memory_space<vmem>>) offsets(%dma_start3A_98 : memref<128xi32, #tpu.memory_space<vmem>>) semaphore(%arg12 : memref<!tpu.dma_semaphore, #tpu.memory_space<semaphore_mem>>)
      } else {
      }
      %add3A_82 = arith.constant 1 : i32
      %add3A_83 = arith.addi %mul3A_61, %add3A_82 : i32
      %dma_wait3A_84 = arith.constant 0 : i32
      %dma_wait3A_85 = tpu.memref_slice %arg7[%add3A_83, %dma_wait3A_84] : memref<40x128xi32, #tpu.memory_space<vmem>> -> memref<1x128xi32, #tpu.memory_space<vmem>>
      %dma_wait3A_86 = tpu.memref_squeeze %dma_wait3A_85 : memref<1x128xi32, #tpu.memory_space<vmem>> -> memref<128xi32, #tpu.memory_space<vmem>>
      %dma_wait3A_87 = arith.constant 0 : i32
      %dma_wait3A_88 = arith.constant 0 : i32
      %dma_wait3A_89 = tpu.memref_slice %arg3[%dma_wait3A_87, %dma_wait3A_88] : memref<10000x128xf32, #tpu.memory_space<hbm>> -> memref<10000x128xf32, #tpu.memory_space<hbm>>
      tpu.wait_indirect_dma semaphore(%arg13 : memref<!tpu.dma_semaphore, #tpu.memory_space<semaphore_mem>>) src(%dma_wait3A_89 : memref<10000x128xf32, #tpu.memory_space<hbm>>) dst(%arg10 : memref<128x128xf32, #tpu.memory_space<vmem>>)
      %add3A_90 = arith.constant 0 : i32
      %add3A_91 = arith.addi %add3A_90, %mul3A_61 : i32
      %add3A_92 = arith.constant 1 : i32
      %add3A_93 = arith.addi %add3A_91, %add3A_92 : i32
      "tpu.region"() ({
        %run_scoped3A_94 = tpu.sem_alloc : memref<!tpu.dma_semaphore, #tpu.memory_space<semaphore_mem>>
        %dma_start3A_95 = arith.constant 0 : i32
        %dma_start3A_96 = tpu.memref_slice %arg8[%add3A_93, %dma_start3A_95] : memref<80x128xi32, #tpu.memory_space<vmem>> -> memref<1x128xi32, #tpu.memory_space<vmem>>
        %dma_start3A_97 = tpu.memref_squeeze %dma_start3A_96 : memref<1x128xi32, #tpu.memory_space<vmem>> -> memref<128xi32, #tpu.memory_space<vmem>>
        %dma_start3A_98 = arith.constant 0 : i32
        %dma_start3A_99 = arith.constant 0 : i32
        %dma_start3A_100 = tpu.memref_slice %arg11[%dma_start3A_98, %dma_start3A_99] : memref<10000x128xf32, #tpu.memory_space<vmem_shared>> -> memref<10000x128xf32, #tpu.memory_space<vmem_shared>>
        tpu.enqueue_indirect_dma source(%arg10 : memref<128x128xf32, #tpu.memory_space<vmem>>) target(%dma_start3A_100 : memref<10000x128xf32, #tpu.memory_space<vmem_shared>>) offsets(%dma_start3A_97 : memref<128xi32, #tpu.memory_space<vmem>>) semaphore(%run_scoped3A_94 : memref<!tpu.dma_semaphore, #tpu.memory_space<semaphore_mem>>) {add = true}
        %dma_wait3A_101 = arith.constant 0 : i32
        %dma_wait3A_102 = tpu.memref_slice %arg8[%add3A_93, %dma_wait3A_101] : memref<80x128xi32, #tpu.memory_space<vmem>> -> memref<1x128xi32, #tpu.memory_space<vmem>>
        %dma_wait3A_103 = tpu.memref_squeeze %dma_wait3A_102 : memref<1x128xi32, #tpu.memory_space<vmem>> -> memref<128xi32, #tpu.memory_space<vmem>>
        %dma_wait3A_104 = arith.constant 0 : i32
        %dma_wait3A_105 = arith.constant 0 : i32
        %dma_wait3A_106 = tpu.memref_slice %arg11[%dma_wait3A_104, %dma_wait3A_105] : memref<10000x128xf32, #tpu.memory_space<vmem_shared>> -> memref<10000x128xf32, #tpu.memory_space<vmem_shared>>
        tpu.wait_indirect_dma semaphore(%run_scoped3A_94 : memref<!tpu.dma_semaphore, #tpu.memory_space<semaphore_mem>>) src(%arg10 : memref<128x128xf32, #tpu.memory_space<vmem>>) dst(%dma_wait3A_106 : memref<10000x128xf32, #tpu.memory_space<vmem_shared>>)
        tpu.yield
      }) : () -> ()
    }
    %scan3A_34 = arith.constant 20 : i32
    %run_scoped3A_35 = arith.constant 0 : i32
    "tpu.region"() ({
      %run_scoped3A_59 = tpu.sem_alloc : memref<!tpu.dma_semaphore, #tpu.memory_space<semaphore_mem>>
      %dma_start3A_60 = arith.constant 40 : i32
      %dma_start3A_61 = arith.constant 0 : i32
      %dma_start3A_62 = tpu.memref_slice %arg2[%run_scoped3A_35, %add3A, %dma_start3A_60, %dma_start3A_61] : memref<2x32x80x128xi32, #tpu.memory_space<hbm>> -> memref<1x1x40x128xi32, #tpu.memory_space<hbm>>
      %dma_start3A_63 = tpu.memref_squeeze %dma_start3A_62 : memref<1x1x40x128xi32, #tpu.memory_space<hbm>> -> memref<40x128xi32, #tpu.memory_space<hbm>>
      %dma_start3A_64 = arith.constant 40 : i32
      %dma_start3A_65 = arith.constant 0 : i32
      %dma_start3A_66 = tpu.memref_slice %arg2[%run_scoped3A_35, %add3A, %dma_start3A_64, %dma_start3A_65] : memref<2x32x80x128xi32, #tpu.memory_space<hbm>> -> memref<1x1x40x128xi32, #tpu.memory_space<hbm>>
      %dma_start3A_67 = tpu.memref_squeeze %dma_start3A_66 : memref<1x1x40x128xi32, #tpu.memory_space<hbm>> -> memref<40x128xi32, #tpu.memory_space<hbm>>
      tpu.enqueue_dma source(%dma_start3A_67 : memref<40x128xi32, #tpu.memory_space<hbm>>) target(%arg7 : memref<40x128xi32, #tpu.memory_space<vmem>>) target_semaphore(%run_scoped3A_59 : memref<!tpu.dma_semaphore, #tpu.memory_space<semaphore_mem>>)
      %dma_wait3A_68 = arith.constant 40 : i32
      %dma_wait3A_69 = arith.constant 0 : i32
      %dma_wait3A_70 = tpu.memref_slice %arg2[%run_scoped3A_35, %add3A, %dma_wait3A_68, %dma_wait3A_69] : memref<2x32x80x128xi32, #tpu.memory_space<hbm>> -> memref<1x1x40x128xi32, #tpu.memory_space<hbm>>
      %dma_wait3A_71 = tpu.memref_squeeze %dma_wait3A_70 : memref<1x1x40x128xi32, #tpu.memory_space<hbm>> -> memref<40x128xi32, #tpu.memory_space<hbm>>
      %dma_wait3A_72 = arith.constant 40 : i32
      %dma_wait3A_73 = arith.constant 0 : i32
      %dma_wait3A_74 = tpu.memref_slice %arg2[%run_scoped3A_35, %add3A, %dma_wait3A_72, %dma_wait3A_73] : memref<2x32x80x128xi32, #tpu.memory_space<hbm>> -> memref<1x1x40x128xi32, #tpu.memory_space<hbm>>
      %dma_wait3A_75 = tpu.memref_squeeze %dma_wait3A_74 : memref<1x1x40x128xi32, #tpu.memory_space<hbm>> -> memref<40x128xi32, #tpu.memory_space<hbm>>
      tpu.wait_dma2 semaphore(%run_scoped3A_59 : memref<!tpu.dma_semaphore, #tpu.memory_space<semaphore_mem>>) src(%dma_wait3A_75 : memref<40x128xi32, #tpu.memory_space<hbm>>) dst(%arg7 : memref<40x128xi32, #tpu.memory_space<vmem>>)
      tpu.yield
    }) : () -> ()
    %dma_start3A_36 = arith.constant 0 : i32
    %dma_start3A_37 = arith.constant 0 : i32
    %dma_start3A_38 = tpu.memref_slice %arg7[%dma_start3A_36, %dma_start3A_37] : memref<40x128xi32, #tpu.memory_space<vmem>> -> memref<1x128xi32, #tpu.memory_space<vmem>>
    %dma_start3A_39 = tpu.memref_squeeze %dma_start3A_38 : memref<1x128xi32, #tpu.memory_space<vmem>> -> memref<128xi32, #tpu.memory_space<vmem>>
    %dma_start3A_40 = arith.constant 0 : i32
    %dma_start3A_41 = arith.constant 0 : i32
    %dma_start3A_42 = tpu.memref_slice %arg3[%dma_start3A_40, %dma_start3A_41] : memref<10000x128xf32, #tpu.memory_space<hbm>> -> memref<10000x128xf32, #tpu.memory_space<hbm>>
    tpu.enqueue_indirect_dma source(%dma_start3A_42 : memref<10000x128xf32, #tpu.memory_space<hbm>>) target(%arg9 : memref<128x128xf32, #tpu.memory_space<vmem>>) offsets(%dma_start3A_39 : memref<128xi32, #tpu.memory_space<vmem>>) semaphore(%arg12 : memref<!tpu.dma_semaphore, #tpu.memory_space<semaphore_mem>>)
    %scan3A_43 = arith.constant 0 : i32
    %scan3A_44 = arith.constant 0 : i32
    %scan3A_45 = arith.constant 20 : i32
    %scan3A_46 = arith.addi %scan3A_44, %scan3A_45 : i32
    %scan3A_47 = arith.constant 1 : i32
    scf.for %scan3A_59 = %scan3A_44 to %scan3A_46 step %scan3A_47  : i32 {
      %mul3A_60 = arith.constant 2 : i32
      %mul3A_61 = arith.muli %mul3A_60, %scan3A_59 : i32
      %add3A_62 = arith.constant 1 : i32
      %add3A_63 = arith.addi %mul3A_61, %add3A_62 : i32
      %dma_start3A_64 = arith.constant 0 : i32
      %dma_start3A_65 = tpu.memref_slice %arg7[%add3A_63, %dma_start3A_64] : memref<40x128xi32, #tpu.memory_space<vmem>> -> memref<1x128xi32, #tpu.memory_space<vmem>>
      %dma_start3A_66 = tpu.memref_squeeze %dma_start3A_65 : memref<1x128xi32, #tpu.memory_space<vmem>> -> memref<128xi32, #tpu.memory_space<vmem>>
      %dma_start3A_67 = arith.constant 0 : i32
      %dma_start3A_68 = arith.constant 0 : i32
      %dma_start3A_69 = tpu.memref_slice %arg3[%dma_start3A_67, %dma_start3A_68] : memref<10000x128xf32, #tpu.memory_space<hbm>> -> memref<10000x128xf32, #tpu.memory_space<hbm>>
      tpu.enqueue_indirect_dma source(%dma_start3A_69 : memref<10000x128xf32, #tpu.memory_space<hbm>>) target(%arg10 : memref<128x128xf32, #tpu.memory_space<vmem>>) offsets(%dma_start3A_66 : memref<128xi32, #tpu.memory_space<vmem>>) semaphore(%arg13 : memref<!tpu.dma_semaphore, #tpu.memory_space<semaphore_mem>>)
      %dma_wait3A_70 = arith.constant 0 : i32
      %dma_wait3A_71 = tpu.memref_slice %arg7[%mul3A_61, %dma_wait3A_70] : memref<40x128xi32, #tpu.memory_space<vmem>> -> memref<1x128xi32, #tpu.memory_space<vmem>>
      %dma_wait3A_72 = tpu.memref_squeeze %dma_wait3A_71 : memref<1x128xi32, #tpu.memory_space<vmem>> -> memref<128xi32, #tpu.memory_space<vmem>>
      %dma_wait3A_73 = arith.constant 0 : i32
      %dma_wait3A_74 = arith.constant 0 : i32
      %dma_wait3A_75 = tpu.memref_slice %arg3[%dma_wait3A_73, %dma_wait3A_74] : memref<10000x128xf32, #tpu.memory_space<hbm>> -> memref<10000x128xf32, #tpu.memory_space<hbm>>
      tpu.wait_indirect_dma semaphore(%arg12 : memref<!tpu.dma_semaphore, #tpu.memory_space<semaphore_mem>>) src(%dma_wait3A_75 : memref<10000x128xf32, #tpu.memory_space<hbm>>) dst(%arg9 : memref<128x128xf32, #tpu.memory_space<vmem>>)
      %add3A_76 = arith.constant 40 : i32
      %add3A_77 = arith.addi %add3A_76, %mul3A_61 : i32
      "tpu.region"() ({
        %run_scoped3A_94 = tpu.sem_alloc : memref<!tpu.dma_semaphore, #tpu.memory_space<semaphore_mem>>
        %dma_start3A_95 = arith.constant 0 : i32
        %dma_start3A_96 = tpu.memref_slice %arg8[%add3A_77, %dma_start3A_95] : memref<80x128xi32, #tpu.memory_space<vmem>> -> memref<1x128xi32, #tpu.memory_space<vmem>>
        %dma_start3A_97 = tpu.memref_squeeze %dma_start3A_96 : memref<1x128xi32, #tpu.memory_space<vmem>> -> memref<128xi32, #tpu.memory_space<vmem>>
        %dma_start3A_98 = arith.constant 0 : i32
        %dma_start3A_99 = arith.constant 0 : i32
        %dma_start3A_100 = tpu.memref_slice %arg11[%dma_start3A_98, %dma_start3A_99] : memref<10000x128xf32, #tpu.memory_space<vmem_shared>> -> memref<10000x128xf32, #tpu.memory_space<vmem_shared>>
        tpu.enqueue_indirect_dma source(%arg9 : memref<128x128xf32, #tpu.memory_space<vmem>>) target(%dma_start3A_100 : memref<10000x128xf32, #tpu.memory_space<vmem_shared>>) offsets(%dma_start3A_97 : memref<128xi32, #tpu.memory_space<vmem>>) semaphore(%run_scoped3A_94 : memref<!tpu.dma_semaphore, #tpu.memory_space<semaphore_mem>>) {add = true}
        %dma_wait3A_101 = arith.constant 0 : i32
        %dma_wait3A_102 = tpu.memref_slice %arg8[%add3A_77, %dma_wait3A_101] : memref<80x128xi32, #tpu.memory_space<vmem>> -> memref<1x128xi32, #tpu.memory_space<vmem>>
        %dma_wait3A_103 = tpu.memref_squeeze %dma_wait3A_102 : memref<1x128xi32, #tpu.memory_space<vmem>> -> memref<128xi32, #tpu.memory_space<vmem>>
        %dma_wait3A_104 = arith.constant 0 : i32
        %dma_wait3A_105 = arith.constant 0 : i32
        %dma_wait3A_106 = tpu.memref_slice %arg11[%dma_wait3A_104, %dma_wait3A_105] : memref<10000x128xf32, #tpu.memory_space<vmem_shared>> -> memref<10000x128xf32, #tpu.memory_space<vmem_shared>>
        tpu.wait_indirect_dma semaphore(%run_scoped3A_94 : memref<!tpu.dma_semaphore, #tpu.memory_space<semaphore_mem>>) src(%arg9 : memref<128x128xf32, #tpu.memory_space<vmem>>) dst(%dma_wait3A_106 : memref<10000x128xf32, #tpu.memory_space<vmem_shared>>)
        tpu.yield
      }) : () -> ()
      %lt3A = arith.constant 19 : i32
      %lt3A_78 = arith.cmpi slt, %scan3A_59, %lt3A : i32
      %convert_element_type3A_79 = arith.extui %lt3A_78 : i1 to i32
      %cond3A_80 = arith.constant 0 : i32
      %cond3A_81 = arith.cmpi ne, %convert_element_type3A_79, %cond3A_80 : i32
      scf.if %cond3A_81 {
        %add3A_94 = arith.constant 2 : i32
        %add3A_95 = arith.addi %mul3A_61, %add3A_94 : i32
        %dma_start3A_96 = arith.constant 0 : i32
        %dma_start3A_97 = tpu.memref_slice %arg7[%add3A_95, %dma_start3A_96] : memref<40x128xi32, #tpu.memory_space<vmem>> -> memref<1x128xi32, #tpu.memory_space<vmem>>
        %dma_start3A_98 = tpu.memref_squeeze %dma_start3A_97 : memref<1x128xi32, #tpu.memory_space<vmem>> -> memref<128xi32, #tpu.memory_space<vmem>>
        %dma_start3A_99 = arith.constant 0 : i32
        %dma_start3A_100 = arith.constant 0 : i32
        %dma_start3A_101 = tpu.memref_slice %arg3[%dma_start3A_99, %dma_start3A_100] : memref<10000x128xf32, #tpu.memory_space<hbm>> -> memref<10000x128xf32, #tpu.memory_space<hbm>>
        tpu.enqueue_indirect_dma source(%dma_start3A_101 : memref<10000x128xf32, #tpu.memory_space<hbm>>) target(%arg9 : memref<128x128xf32, #tpu.memory_space<vmem>>) offsets(%dma_start3A_98 : memref<128xi32, #tpu.memory_space<vmem>>) semaphore(%arg12 : memref<!tpu.dma_semaphore, #tpu.memory_space<semaphore_mem>>)
      } else {
      }
      %add3A_82 = arith.constant 1 : i32
      %add3A_83 = arith.addi %mul3A_61, %add3A_82 : i32
      %dma_wait3A_84 = arith.constant 0 : i32
      %dma_wait3A_85 = tpu.memref_slice %arg7[%add3A_83, %dma_wait3A_84] : memref<40x128xi32, #tpu.memory_space<vmem>> -> memref<1x128xi32, #tpu.memory_space<vmem>>
      %dma_wait3A_86 = tpu.memref_squeeze %dma_wait3A_85 : memref<1x128xi32, #tpu.memory_space<vmem>> -> memref<128xi32, #tpu.memory_space<vmem>>
      %dma_wait3A_87 = arith.constant 0 : i32
      %dma_wait3A_88 = arith.constant 0 : i32
      %dma_wait3A_89 = tpu.memref_slice %arg3[%dma_wait3A_87, %dma_wait3A_88] : memref<10000x128xf32, #tpu.memory_space<hbm>> -> memref<10000x128xf32, #tpu.memory_space<hbm>>
      tpu.wait_indirect_dma semaphore(%arg13 : memref<!tpu.dma_semaphore, #tpu.memory_space<semaphore_mem>>) src(%dma_wait3A_89 : memref<10000x128xf32, #tpu.memory_space<hbm>>) dst(%arg10 : memref<128x128xf32, #tpu.memory_space<vmem>>)
      %add3A_90 = arith.constant 40 : i32
      %add3A_91 = arith.addi %add3A_90, %mul3A_61 : i32
      %add3A_92 = arith.constant 1 : i32
      %add3A_93 = arith.addi %add3A_91, %add3A_92 : i32
      "tpu.region"() ({
        %run_scoped3A_94 = tpu.sem_alloc : memref<!tpu.dma_semaphore, #tpu.memory_space<semaphore_mem>>
        %dma_start3A_95 = arith.constant 0 : i32
        %dma_start3A_96 = tpu.memref_slice %arg8[%add3A_93, %dma_start3A_95] : memref<80x128xi32, #tpu.memory_space<vmem>> -> memref<1x128xi32, #tpu.memory_space<vmem>>
        %dma_start3A_97 = tpu.memref_squeeze %dma_start3A_96 : memref<1x128xi32, #tpu.memory_space<vmem>> -> memref<128xi32, #tpu.memory_space<vmem>>
        %dma_start3A_98 = arith.constant 0 : i32
        %dma_start3A_99 = arith.constant 0 : i32
        %dma_start3A_100 = tpu.memref_slice %arg11[%dma_start3A_98, %dma_start3A_99] : memref<10000x128xf32, #tpu.memory_space<vmem_shared>> -> memref<10000x128xf32, #tpu.memory_space<vmem_shared>>
        tpu.enqueue_indirect_dma source(%arg10 : memref<128x128xf32, #tpu.memory_space<vmem>>) target(%dma_start3A_100 : memref<10000x128xf32, #tpu.memory_space<vmem_shared>>) offsets(%dma_start3A_97 : memref<128xi32, #tpu.memory_space<vmem>>) semaphore(%run_scoped3A_94 : memref<!tpu.dma_semaphore, #tpu.memory_space<semaphore_mem>>) {add = true}
        %dma_wait3A_101 = arith.constant 0 : i32
        %dma_wait3A_102 = tpu.memref_slice %arg8[%add3A_93, %dma_wait3A_101] : memref<80x128xi32, #tpu.memory_space<vmem>> -> memref<1x128xi32, #tpu.memory_space<vmem>>
        %dma_wait3A_103 = tpu.memref_squeeze %dma_wait3A_102 : memref<1x128xi32, #tpu.memory_space<vmem>> -> memref<128xi32, #tpu.memory_space<vmem>>
        %dma_wait3A_104 = arith.constant 0 : i32
        %dma_wait3A_105 = arith.constant 0 : i32
        %dma_wait3A_106 = tpu.memref_slice %arg11[%dma_wait3A_104, %dma_wait3A_105] : memref<10000x128xf32, #tpu.memory_space<vmem_shared>> -> memref<10000x128xf32, #tpu.memory_space<vmem_shared>>
        tpu.wait_indirect_dma semaphore(%run_scoped3A_94 : memref<!tpu.dma_semaphore, #tpu.memory_space<semaphore_mem>>) src(%arg10 : memref<128x128xf32, #tpu.memory_space<vmem>>) dst(%dma_wait3A_106 : memref<10000x128xf32, #tpu.memory_space<vmem_shared>>)
        tpu.yield
      }) : () -> ()
    }
    %scan3A_48 = arith.constant 20 : i32
    %barrier3A_49 = arith.constant 0 : index
    tpu.barrier barrier_id(%barrier3A_49)
    %mul3A_50 = arith.constant 624 : i32
    %mul3A_51 = arith.muli %arg1, %mul3A_50 : i32
    %eq3A = arith.constant 0 : i32
    %eq3A_52 = arith.cmpi eq, %arg0, %eq3A : i32
    %convert_element_type3A = arith.extui %eq3A_52 : i1 to i32
    %cond3A = arith.constant 0 : i32
    %cond3A_53 = arith.cmpi ne, %convert_element_type3A, %cond3A : i32
    scf.if %cond3A_53 {
      "tpu.region"() ({
        %run_scoped3A_64 = tpu.sem_alloc : memref<!tpu.dma_semaphore, #tpu.memory_space<semaphore_mem>>
        %dma_start3A_65 = arith.constant 0 : i32
        %dma_start3A_66 = tpu.memref_slice %arg5[%mul3A_51, %dma_start3A_65] : memref<10000x128xf32, #tpu.memory_space<hbm>> -> memref<624x128xf32, #tpu.memory_space<hbm>>
        %dma_start3A_67 = arith.constant 0 : i32
        %dma_start3A_68 = tpu.memref_slice %arg11[%mul3A_51, %dma_start3A_67] : memref<10000x128xf32, #tpu.memory_space<vmem_shared>> -> memref<624x128xf32, #tpu.memory_space<vmem_shared>>
        tpu.enqueue_dma source(%dma_start3A_68 : memref<624x128xf32, #tpu.memory_space<vmem_shared>>) target(%dma_start3A_66 : memref<624x128xf32, #tpu.memory_space<hbm>>) target_semaphore(%run_scoped3A_64 : memref<!tpu.dma_semaphore, #tpu.memory_space<semaphore_mem>>)
        %dma_wait3A_69 = arith.constant 0 : i32
        %dma_wait3A_70 = tpu.memref_slice %arg5[%mul3A_51, %dma_wait3A_69] : memref<10000x128xf32, #tpu.memory_space<hbm>> -> memref<624x128xf32, #tpu.memory_space<hbm>>
        %dma_wait3A_71 = arith.constant 0 : i32
        %dma_wait3A_72 = tpu.memref_slice %arg11[%mul3A_51, %dma_wait3A_71] : memref<10000x128xf32, #tpu.memory_space<vmem_shared>> -> memref<624x128xf32, #tpu.memory_space<vmem_shared>>
        tpu.wait_dma2 semaphore(%run_scoped3A_64 : memref<!tpu.dma_semaphore, #tpu.memory_space<semaphore_mem>>) src(%dma_wait3A_72 : memref<624x128xf32, #tpu.memory_space<vmem_shared>>) dst(%dma_wait3A_70 : memref<624x128xf32, #tpu.memory_space<hbm>>)
        tpu.yield
      }) : () -> ()
      %eq3A_59 = arith.constant 15 : i32
      %eq3A_60 = arith.cmpi eq, %arg1, %eq3A_59 : i32
      %convert_element_type3A_61 = arith.extui %eq3A_60 : i1 to i32
      %cond3A_62 = arith.constant 0 : i32
      %cond3A_63 = arith.cmpi ne, %convert_element_type3A_61, %cond3A_62 : i32
      scf.if %cond3A_63 {
        "tpu.region"() ({
          %run_scoped3A_64 = tpu.sem_alloc : memref<!tpu.dma_semaphore, #tpu.memory_space<semaphore_mem>>
          %dma_start3A_65 = arith.constant 9984 : i32
          %dma_start3A_66 = arith.constant 0 : i32
          %dma_start3A_67 = tpu.memref_slice %arg5[%dma_start3A_65, %dma_start3A_66] : memref<10000x128xf32, #tpu.memory_space<hbm>> -> memref<16x128xf32, #tpu.memory_space<hbm>>
          %dma_start3A_68 = arith.constant 9984 : i32
          %dma_start3A_69 = arith.constant 0 : i32
          %dma_start3A_70 = tpu.memref_slice %arg11[%dma_start3A_68, %dma_start3A_69] : memref<10000x128xf32, #tpu.memory_space<vmem_shared>> -> memref<16x128xf32, #tpu.memory_space<vmem_shared>>
          tpu.enqueue_dma source(%dma_start3A_70 : memref<16x128xf32, #tpu.memory_space<vmem_shared>>) target(%dma_start3A_67 : memref<16x128xf32, #tpu.memory_space<hbm>>) target_semaphore(%run_scoped3A_64 : memref<!tpu.dma_semaphore, #tpu.memory_space<semaphore_mem>>)
          %dma_wait3A_71 = arith.constant 9984 : i32
          %dma_wait3A_72 = arith.constant 0 : i32
          %dma_wait3A_73 = tpu.memref_slice %arg5[%dma_wait3A_71, %dma_wait3A_72] : memref<10000x128xf32, #tpu.memory_space<hbm>> -> memref<16x128xf32, #tpu.memory_space<hbm>>
          %dma_wait3A_74 = arith.constant 9984 : i32
          %dma_wait3A_75 = arith.constant 0 : i32
          %dma_wait3A_76 = tpu.memref_slice %arg11[%dma_wait3A_74, %dma_wait3A_75] : memref<10000x128xf32, #tpu.memory_space<vmem_shared>> -> memref<16x128xf32, #tpu.memory_space<vmem_shared>>
          tpu.wait_dma2 semaphore(%run_scoped3A_64 : memref<!tpu.dma_semaphore, #tpu.memory_space<semaphore_mem>>) src(%dma_wait3A_76 : memref<16x128xf32, #tpu.memory_space<vmem_shared>>) dst(%dma_wait3A_73 : memref<16x128xf32, #tpu.memory_space<hbm>>)
          tpu.yield
        }) : () -> ()
      } else {
      }
    } else {
    }
    %eq3A_54 = arith.constant 1 : i32
    %eq3A_55 = arith.cmpi eq, %arg0, %eq3A_54 : i32
    %convert_element_type3A_56 = arith.extui %eq3A_55 : i1 to i32
    %cond3A_57 = arith.constant 0 : i32
    %cond3A_58 = arith.cmpi ne, %convert_element_type3A_56, %cond3A_57 : i32
    scf.if %cond3A_58 {
      "tpu.region"() ({
        %run_scoped3A_64 = tpu.sem_alloc : memref<!tpu.dma_semaphore, #tpu.memory_space<semaphore_mem>>
        %dma_start3A_65 = arith.constant 0 : i32
        %dma_start3A_66 = tpu.memref_slice %arg6[%mul3A_51, %dma_start3A_65] : memref<10000x128xf32, #tpu.memory_space<hbm>> -> memref<624x128xf32, #tpu.memory_space<hbm>>
        %dma_start3A_67 = arith.constant 0 : i32
        %dma_start3A_68 = tpu.memref_slice %arg11[%mul3A_51, %dma_start3A_67] : memref<10000x128xf32, #tpu.memory_space<vmem_shared>> -> memref<624x128xf32, #tpu.memory_space<vmem_shared>>
        tpu.enqueue_dma source(%dma_start3A_68 : memref<624x128xf32, #tpu.memory_space<vmem_shared>>) target(%dma_start3A_66 : memref<624x128xf32, #tpu.memory_space<hbm>>) target_semaphore(%run_scoped3A_64 : memref<!tpu.dma_semaphore, #tpu.memory_space<semaphore_mem>>)
        %dma_wait3A_69 = arith.constant 0 : i32
        %dma_wait3A_70 = tpu.memref_slice %arg6[%mul3A_51, %dma_wait3A_69] : memref<10000x128xf32, #tpu.memory_space<hbm>> -> memref<624x128xf32, #tpu.memory_space<hbm>>
        %dma_wait3A_71 = arith.constant 0 : i32
        %dma_wait3A_72 = tpu.memref_slice %arg11[%mul3A_51, %dma_wait3A_71] : memref<10000x128xf32, #tpu.memory_space<vmem_shared>> -> memref<624x128xf32, #tpu.memory_space<vmem_shared>>
        tpu.wait_dma2 semaphore(%run_scoped3A_64 : memref<!tpu.dma_semaphore, #tpu.memory_space<semaphore_mem>>) src(%dma_wait3A_72 : memref<624x128xf32, #tpu.memory_space<vmem_shared>>) dst(%dma_wait3A_70 : memref<624x128xf32, #tpu.memory_space<hbm>>)
        tpu.yield
      }) : () -> ()
      %eq3A_59 = arith.constant 15 : i32
      %eq3A_60 = arith.cmpi eq, %arg1, %eq3A_59 : i32
      %convert_element_type3A_61 = arith.extui %eq3A_60 : i1 to i32
      %cond3A_62 = arith.constant 0 : i32
      %cond3A_63 = arith.cmpi ne, %convert_element_type3A_61, %cond3A_62 : i32
      scf.if %cond3A_63 {
        "tpu.region"() ({
          %run_scoped3A_64 = tpu.sem_alloc : memref<!tpu.dma_semaphore, #tpu.memory_space<semaphore_mem>>
          %dma_start3A_65 = arith.constant 9984 : i32
          %dma_start3A_66 = arith.constant 0 : i32
          %dma_start3A_67 = tpu.memref_slice %arg6[%dma_start3A_65, %dma_start3A_66] : memref<10000x128xf32, #tpu.memory_space<hbm>> -> memref<16x128xf32, #tpu.memory_space<hbm>>
          %dma_start3A_68 = arith.constant 9984 : i32
          %dma_start3A_69 = arith.constant 0 : i32
          %dma_start3A_70 = tpu.memref_slice %arg11[%dma_start3A_68, %dma_start3A_69] : memref<10000x128xf32, #tpu.memory_space<vmem_shared>> -> memref<16x128xf32, #tpu.memory_space<vmem_shared>>
          tpu.enqueue_dma source(%dma_start3A_70 : memref<16x128xf32, #tpu.memory_space<vmem_shared>>) target(%dma_start3A_67 : memref<16x128xf32, #tpu.memory_space<hbm>>) target_semaphore(%run_scoped3A_64 : memref<!tpu.dma_semaphore, #tpu.memory_space<semaphore_mem>>)
          %dma_wait3A_71 = arith.constant 9984 : i32
          %dma_wait3A_72 = arith.constant 0 : i32
          %dma_wait3A_73 = tpu.memref_slice %arg6[%dma_wait3A_71, %dma_wait3A_72] : memref<10000x128xf32, #tpu.memory_space<hbm>> -> memref<16x128xf32, #tpu.memory_space<hbm>>
          %dma_wait3A_74 = arith.constant 9984 : i32
          %dma_wait3A_75 = arith.constant 0 : i32
          %dma_wait3A_76 = tpu.memref_slice %arg11[%dma_wait3A_74, %dma_wait3A_75] : memref<10000x128xf32, #tpu.memory_space<vmem_shared>> -> memref<16x128xf32, #tpu.memory_space<vmem_shared>>
          tpu.wait_dma2 semaphore(%run_scoped3A_64 : memref<!tpu.dma_semaphore, #tpu.memory_space<semaphore_mem>>) src(%dma_wait3A_76 : memref<16x128xf32, #tpu.memory_space<vmem_shared>>) dst(%dma_wait3A_73 : memref<16x128xf32, #tpu.memory_space<hbm>>)
          tpu.yield
        }) : () -> ()
      } else {
      }
    } else {
    }
    return
  }
}

module attributes {stable_mosaic.version = 14 : i64} {
  func.func @_tc_b_body(%arg0: i32, %arg1: memref<5000x16xf32, #tpu.memory_space<vmem>>, %arg2: memref<5000x16xf32, #tpu.memory_space<vmem>>, %arg3: memref<5000x128xf32, #tpu.memory_space<vmem>>, %arg4: memref<128x128xf32, #tpu.memory_space<vmem>>, %arg5: memref<5000x16xf32, #tpu.memory_space<vmem>>, %arg6: memref<5000x128xf32, #tpu.memory_space<vmem>>) attributes {dimension_semantics = [#tpu.dimension_semantics<arbitrary>], iteration_bounds = array<i64: 2>, scalar_prefetch = 0 : i64, scratch_operands = 0 : i64, tpu.core_type = #tpu.core_type<tc>, window_params = [{transform_indices = @transform_0, window_bounds = array<i64: 5000, 16>}, {transform_indices = @transform_1, window_bounds = array<i64: 5000, 16>}, {transform_indices = @transform_2, window_bounds = array<i64: 5000, 128>}, {pipeline_mode = #tpu.pipeline_mode<synchronous>, transform_indices = @transform_3, window_bounds = array<i64: 128, 128>}, {transform_indices = @transform_4, window_bounds = array<i64: 5000, 16>}, {transform_indices = @transform_5, window_bounds = array<i64: 5000, 128>}]} {
    %mul3A = arith.constant 5000 : i32
    %mul3A_0 = arith.muli %arg0, %mul3A : i32
    %iota3A = tpu.iota {dimensions = array<i32: 0>} : vector<5000x1xi32>
    %add3A = vector.broadcast %mul3A_0 : i32 to vector<5000x1xi32>
    %add3A_1 = arith.addi %add3A, %iota3A : vector<5000x1xi32>
    %lt3A = arith.constant 7680 : i32
    %lt3A_2 = vector.broadcast %lt3A : i32 to vector<5000x1xi32>
    %lt3A_3 = arith.cmpi slt, %add3A_1, %lt3A_2 : vector<5000x1xi32>
    %jit3A = arith.constant 1.000000e+00 : f32
    %jit3A_4 = arith.constant 0.000000e+00 : f32
    %broadcast_in_dim3A = vector.broadcast %jit3A : f32 to vector<5000x1xf32>
    %broadcast_in_dim3A_5 = vector.broadcast %jit3A_4 : f32 to vector<5000x1xf32>
    %select_n3A = arith.select %lt3A_3, %broadcast_in_dim3A, %broadcast_in_dim3A_5 : vector<5000x1xi1>, vector<5000x1xf32>
    %get3A = arith.constant 0 : index
    %get3A_6 = arith.constant 0 : index
    %get3A_7 = vector.load %arg1[%get3A, %get3A_6] : memref<5000x16xf32, #tpu.memory_space<vmem>>, vector<5000x16xf32>
    %get3A_8 = arith.constant 0 : index
    %get3A_9 = arith.constant 0 : index
    %get3A_10 = vector.load %arg2[%get3A_8, %get3A_9] : memref<5000x16xf32, #tpu.memory_space<vmem>>, vector<5000x16xf32>
    %add3A_11 = arith.addf %get3A_7, %get3A_10 : vector<5000x16xf32>
    %sub3A = arith.constant 1.000000e+00 : f32
    %sub3A_12 = vector.broadcast %sub3A : f32 to vector<5000x1xf32>
    %sub3A_13 = arith.subf %sub3A_12, %select_n3A : vector<5000x1xf32>
    %add3A_14 = vector.broadcast %sub3A_13 : vector<5000x1xf32> to vector<5000x16xf32>
    %add3A_15 = arith.addf %add3A_11, %add3A_14 : vector<5000x16xf32>
    %rsqrt3A = math.rsqrt %add3A_15 : vector<5000x16xf32>
    %swap3A = arith.constant 0 : index
    %swap3A_16 = arith.constant 0 : index
    %swap3A_17 = vector.load %arg5[%swap3A, %swap3A_16] : memref<5000x16xf32, #tpu.memory_space<vmem>>, vector<5000x16xf32>
    tpu.vector_store %arg5[%swap3A, %swap3A_16], %rsqrt3A {strides = array<i32>} : memref<5000x16xf32, #tpu.memory_space<vmem>>, vector<5000x16xf32>,
    %get3A_18 = arith.constant 0 : index
    %get3A_19 = arith.constant 0 : index
    %get3A_20 = vector.load %arg3[%get3A_18, %get3A_19] : memref<5000x128xf32, #tpu.memory_space<vmem>>, vector<5000x128xf32>
    %get3A_21 = arith.constant 0 : index
    %get3A_22 = arith.constant 0 : index
    %get3A_23 = vector.load %arg4[%get3A_21, %get3A_22] : memref<128x128xf32, #tpu.memory_space<vmem>>, vector<128x128xf32>
    %dot_general3A = arith.constant dense<0.000000e+00> : vector<5000x128xf32>
    %dot_general3A_24 = tpu.matmul %get3A_20, %get3A_23, %dot_general3A {dimension_numbers = #tpu.dot_dimension_numbers<[1], [0], [0], [1], [0, 0, 1, 1], [], []>, transpose_lhs_hint = false} : vector<5000x128xf32>, vector<128x128xf32>, vector<5000x128xf32> -> vector<5000x128xf32>
    %slice3A = vector.extract_strided_slice %rsqrt3A {offsets = [0, 0], sizes = [5000, 1], strides = [1, 1]} : vector<5000x16xf32> to vector<5000x1xf32>
    %mul3A_25 = vector.broadcast %slice3A : vector<5000x1xf32> to vector<5000x128xf32>
    %mul3A_26 = arith.mulf %dot_general3A_24, %mul3A_25 : vector<5000x128xf32>
    %swap3A_27 = arith.constant 0 : index
    %swap3A_28 = arith.constant 0 : index
    %swap3A_29 = vector.load %arg6[%swap3A_27, %swap3A_28] : memref<5000x128xf32, #tpu.memory_space<vmem>>, vector<5000x128xf32>
    tpu.vector_store %arg6[%swap3A_27, %swap3A_28], %mul3A_26 {strides = array<i32>} : memref<5000x128xf32, #tpu.memory_space<vmem>>, vector<5000x128xf32>,
    return
  }
  func.func @transform_0(%arg0: i32) -> (i32, i32) {
    %c0_i32 = arith.constant 0 : i32
    %c0_i32_0 = arith.constant 0 : i32
    return %arg0, %c0_i32 : i32, i32
  }
  func.func @transform_1(%arg0: i32) -> (i32, i32) {
    %c0_i32 = arith.constant 0 : i32
    %c0_i32_0 = arith.constant 0 : i32
    return %arg0, %c0_i32 : i32, i32
  }
  func.func @transform_2(%arg0: i32) -> (i32, i32) {
    %c0_i32 = arith.constant 0 : i32
    %c0_i32_0 = arith.constant 0 : i32
    return %arg0, %c0_i32 : i32, i32
  }
  func.func @transform_3(%arg0: i32) -> (i32, i32) {
    %c0_i32 = arith.constant 0 : i32
    %c0_i32_0 = arith.constant 0 : i32
    %c0_i32_1 = arith.constant 0 : i32
    return %c0_i32, %c0_i32_0 : i32, i32
  }
  func.func @transform_4(%arg0: i32) -> (i32, i32) {
    %c0_i32 = arith.constant 0 : i32
    %c0_i32_0 = arith.constant 0 : i32
    return %arg0, %c0_i32 : i32, i32
  }
  func.func @transform_5(%arg0: i32) -> (i32, i32) {
    %c0_i32 = arith.constant 0 : i32
    %c0_i32_0 = arith.constant 0 : i32
    return %arg0, %c0_i32 : i32, i32
  }
}

module attributes {stable_mosaic.version = 14 : i64} {
  func.func @_tc_d_body(%arg0: i32, %arg1: memref<5000x128xf32, #tpu.memory_space<vmem>>, %arg2: memref<5000x128xf32, #tpu.memory_space<vmem>>, %arg3: memref<5000x128xf32, #tpu.memory_space<vmem>>, %arg4: memref<5000x16xf32, #tpu.memory_space<vmem>>, %arg5: memref<1x128xf32, #tpu.memory_space<vmem>>, %arg6: memref<128x128xf32, #tpu.memory_space<vmem>>, %arg7: memref<5000x128xf32, #tpu.memory_space<vmem>>) attributes {dimension_semantics = [#tpu.dimension_semantics<arbitrary>], iteration_bounds = array<i64: 2>, scalar_prefetch = 0 : i64, scratch_operands = 0 : i64, tpu.core_type = #tpu.core_type<tc>, window_params = [{transform_indices = @transform_0, window_bounds = array<i64: 5000, 128>}, {transform_indices = @transform_1, window_bounds = array<i64: 5000, 128>}, {transform_indices = @transform_2, window_bounds = array<i64: 5000, 128>}, {transform_indices = @transform_3, window_bounds = array<i64: 5000, 16>}, {pipeline_mode = #tpu.pipeline_mode<synchronous>, transform_indices = @transform_4, window_bounds = array<i64: 1, 128>}, {pipeline_mode = #tpu.pipeline_mode<synchronous>, transform_indices = @transform_5, window_bounds = array<i64: 128, 128>}, {transform_indices = @transform_6, window_bounds = array<i64: 5000, 128>}]} {
    %mul3A = arith.constant 5000 : i32
    %mul3A_0 = arith.muli %arg0, %mul3A : i32
    %iota3A = tpu.iota {dimensions = array<i32: 0>} : vector<5000x1xi32>
    %add3A = vector.broadcast %mul3A_0 : i32 to vector<5000x1xi32>
    %add3A_1 = arith.addi %add3A, %iota3A : vector<5000x1xi32>
    %lt3A = arith.constant 7680 : i32
    %lt3A_2 = vector.broadcast %lt3A : i32 to vector<5000x1xi32>
    %lt3A_3 = arith.cmpi slt, %add3A_1, %lt3A_2 : vector<5000x1xi32>
    %jit3A = arith.constant 0.000000e+00 : f32
    %jit3A_4 = arith.constant 1.000000e+00 : f32
    %broadcast_in_dim3A = vector.broadcast %jit3A : f32 to vector<5000x1xf32>
    %broadcast_in_dim3A_5 = vector.broadcast %jit3A_4 : f32 to vector<5000x1xf32>
    %select_n3A = arith.select %lt3A_3, %broadcast_in_dim3A, %broadcast_in_dim3A_5 : vector<5000x1xi1>, vector<5000x1xf32>
    %get3A = arith.constant 0 : index
    %get3A_6 = arith.constant 0 : index
    %get3A_7 = vector.load %arg4[%get3A, %get3A_6] : memref<5000x16xf32, #tpu.memory_space<vmem>>, vector<5000x16xf32>
    %slice3A = vector.extract_strided_slice %get3A_7 {offsets = [0, 0], sizes = [5000, 1], strides = [1, 1]} : vector<5000x16xf32> to vector<5000x1xf32>
    %get3A_8 = arith.constant 0 : index
    %get3A_9 = arith.constant 0 : index
    %get3A_10 = vector.load %arg1[%get3A_8, %get3A_9] : memref<5000x128xf32, #tpu.memory_space<vmem>>, vector<5000x128xf32>
    %get3A_11 = arith.constant 0 : index
    %get3A_12 = arith.constant 0 : index
    %get3A_13 = vector.load %arg2[%get3A_11, %get3A_12] : memref<5000x128xf32, #tpu.memory_space<vmem>>, vector<5000x128xf32>
    %add3A_14 = arith.addf %get3A_10, %get3A_13 : vector<5000x128xf32>
    %get3A_15 = arith.constant 0 : index
    %get3A_16 = arith.constant 0 : index
    %get3A_17 = vector.load %arg3[%get3A_15, %get3A_16] : memref<5000x128xf32, #tpu.memory_space<vmem>>, vector<5000x128xf32>
    %mul3A_18 = vector.broadcast %select_n3A : vector<5000x1xf32> to vector<5000x128xf32>
    %mul3A_19 = arith.mulf %mul3A_18, %get3A_17 : vector<5000x128xf32>
    %add3A_20 = arith.addf %add3A_14, %mul3A_19 : vector<5000x128xf32>
    %mul3A_21 = vector.broadcast %slice3A : vector<5000x1xf32> to vector<5000x128xf32>
    %mul3A_22 = arith.mulf %add3A_20, %mul3A_21 : vector<5000x128xf32>
    %get3A_23 = arith.constant 0 : index
    %get3A_24 = arith.constant 0 : index
    %get3A_25 = vector.load %arg5[%get3A_23, %get3A_24] : memref<1x128xf32, #tpu.memory_space<vmem>>, vector<1x128xf32>
    %add3A_26 = vector.broadcast %get3A_25 : vector<1x128xf32> to vector<5000x128xf32>
    %add3A_27 = arith.addf %mul3A_22, %add3A_26 : vector<5000x128xf32>
    %max3A = arith.constant 0.000000e+00 : f32
    %max3A_28 = vector.broadcast %max3A : f32 to vector<5000x128xf32>
    %max3A_29 = arith.maximumf %add3A_27, %max3A_28 : vector<5000x128xf32>
    %get3A_30 = arith.constant 0 : index
    %get3A_31 = arith.constant 0 : index
    %get3A_32 = vector.load %arg6[%get3A_30, %get3A_31] : memref<128x128xf32, #tpu.memory_space<vmem>>, vector<128x128xf32>
    %dot_general3A = arith.constant dense<0.000000e+00> : vector<5000x128xf32>
    %dot_general3A_33 = tpu.matmul %max3A_29, %get3A_32, %dot_general3A {dimension_numbers = #tpu.dot_dimension_numbers<[1], [0], [0], [1], [0, 0, 1, 1], [], []>, transpose_lhs_hint = false} : vector<5000x128xf32>, vector<128x128xf32>, vector<5000x128xf32> -> vector<5000x128xf32>
    %mul3A_34 = vector.broadcast %slice3A : vector<5000x1xf32> to vector<5000x128xf32>
    %mul3A_35 = arith.mulf %dot_general3A_33, %mul3A_34 : vector<5000x128xf32>
    %swap3A = arith.constant 0 : index
    %swap3A_36 = arith.constant 0 : index
    %swap3A_37 = vector.load %arg7[%swap3A, %swap3A_36] : memref<5000x128xf32, #tpu.memory_space<vmem>>, vector<5000x128xf32>
    tpu.vector_store %arg7[%swap3A, %swap3A_36], %mul3A_35 {strides = array<i32>} : memref<5000x128xf32, #tpu.memory_space<vmem>>, vector<5000x128xf32>,
    return
  }
  func.func @transform_0(%arg0: i32) -> (i32, i32) {
    %c0_i32 = arith.constant 0 : i32
    %c0_i32_0 = arith.constant 0 : i32
    return %arg0, %c0_i32 : i32, i32
  }
  func.func @transform_1(%arg0: i32) -> (i32, i32) {
    %c0_i32 = arith.constant 0 : i32
    %c0_i32_0 = arith.constant 0 : i32
    return %arg0, %c0_i32 : i32, i32
  }
  func.func @transform_2(%arg0: i32) -> (i32, i32) {
    %c0_i32 = arith.constant 0 : i32
    %c0_i32_0 = arith.constant 0 : i32
    return %arg0, %c0_i32 : i32, i32
  }
  func.func @transform_3(%arg0: i32) -> (i32, i32) {
    %c0_i32 = arith.constant 0 : i32
    %c0_i32_0 = arith.constant 0 : i32
    return %arg0, %c0_i32 : i32, i32
  }
  func.func @transform_4(%arg0: i32) -> (i32, i32) {
    %c0_i32 = arith.constant 0 : i32
    %c0_i32_0 = arith.constant 0 : i32
    %c0_i32_1 = arith.constant 0 : i32
    return %c0_i32, %c0_i32_0 : i32, i32
  }
  func.func @transform_5(%arg0: i32) -> (i32, i32) {
    %c0_i32 = arith.constant 0 : i32
    %c0_i32_0 = arith.constant 0 : i32
    %c0_i32_1 = arith.constant 0 : i32
    return %c0_i32, %c0_i32_0 : i32, i32
  }
  func.func @transform_6(%arg0: i32) -> (i32, i32) {
    %c0_i32 = arith.constant 0 : i32
    %c0_i32_0 = arith.constant 0 : i32
    return %arg0, %c0_i32 : i32, i32
  }
}

module attributes {stable_mosaic.version = 14 : i64} {
  func.func @_tc_f_body(%arg0: i32, %arg1: memref<5000x128xf32, #tpu.memory_space<vmem>>, %arg2: memref<5000x128xf32, #tpu.memory_space<vmem>>, %arg3: memref<5000x128xf32, #tpu.memory_space<vmem>>, %arg4: memref<5000x16xf32, #tpu.memory_space<vmem>>, %arg5: memref<1x128xf32, #tpu.memory_space<vmem>>, %arg6: memref<1x1x5000xi32, #tpu.memory_space<vmem>>, %arg7: memref<128x128xf32, #tpu.memory_space<vmem>>, %arg8: memref<1x128xf32, #tpu.memory_space<vmem>>, %arg9: memref<64x128xf32, #tpu.memory_space<vmem>>, %arg10: memref<64x128xf32, #tpu.memory_space<vmem>>, %arg11: memref<64x128xf32, #tpu.memory_space<vmem>>) attributes {dimension_semantics = [#tpu.dimension_semantics<arbitrary>], iteration_bounds = array<i64: 2>, scalar_prefetch = 0 : i64, scratch_operands = 2 : i64, tpu.core_type = #tpu.core_type<tc>, window_params = [{transform_indices = @transform_0, window_bounds = array<i64: 5000, 128>}, {transform_indices = @transform_1, window_bounds = array<i64: 5000, 128>}, {transform_indices = @transform_2, window_bounds = array<i64: 5000, 128>}, {transform_indices = @transform_3, window_bounds = array<i64: 5000, 16>}, {pipeline_mode = #tpu.pipeline_mode<synchronous>, transform_indices = @transform_4, window_bounds = array<i64: 1, 128>}, {transform_indices = @transform_5, window_bounds = array<i64: 1, 1, 5000>}, {pipeline_mode = #tpu.pipeline_mode<synchronous>, transform_indices = @transform_6, window_bounds = array<i64: 128, 128>}, {pipeline_mode = #tpu.pipeline_mode<synchronous>, transform_indices = @transform_7, window_bounds = array<i64: 1, 128>}, {pipeline_mode = #tpu.pipeline_mode<synchronous>, transform_indices = @transform_8, window_bounds = array<i64: 64, 128>}]} {
    %mul3A = arith.constant 5000 : i32
    %mul3A_0 = arith.muli %arg0, %mul3A : i32
    %iota3A = tpu.iota {dimensions = array<i32: 0>} : vector<5000x1xi32>
    %add3A = vector.broadcast %mul3A_0 : i32 to vector<5000x1xi32>
    %add3A_1 = arith.addi %add3A, %iota3A : vector<5000x1xi32>
    %lt3A = arith.constant 7680 : i32
    %lt3A_2 = vector.broadcast %lt3A : i32 to vector<5000x1xi32>
    %lt3A_3 = arith.cmpi slt, %add3A_1, %lt3A_2 : vector<5000x1xi32>
    %jit3A = arith.constant 0.000000e+00 : f32
    %jit3A_4 = arith.constant 1.000000e+00 : f32
    %broadcast_in_dim3A = vector.broadcast %jit3A : f32 to vector<5000x1xf32>
    %broadcast_in_dim3A_5 = vector.broadcast %jit3A_4 : f32 to vector<5000x1xf32>
    %select_n3A = arith.select %lt3A_3, %broadcast_in_dim3A, %broadcast_in_dim3A_5 : vector<5000x1xi1>, vector<5000x1xf32>
    %get3A = arith.constant 0 : index
    %get3A_6 = arith.constant 0 : index
    %get3A_7 = vector.load %arg4[%get3A, %get3A_6] : memref<5000x16xf32, #tpu.memory_space<vmem>>, vector<5000x16xf32>
    %slice3A = vector.extract_strided_slice %get3A_7 {offsets = [0, 0], sizes = [5000, 1], strides = [1, 1]} : vector<5000x16xf32> to vector<5000x1xf32>
    %get3A_8 = arith.constant 0 : index
    %get3A_9 = arith.constant 0 : index
    %get3A_10 = vector.load %arg1[%get3A_8, %get3A_9] : memref<5000x128xf32, #tpu.memory_space<vmem>>, vector<5000x128xf32>
    %get3A_11 = arith.constant 0 : index
    %get3A_12 = arith.constant 0 : index
    %get3A_13 = vector.load %arg2[%get3A_11, %get3A_12] : memref<5000x128xf32, #tpu.memory_space<vmem>>, vector<5000x128xf32>
    %add3A_14 = arith.addf %get3A_10, %get3A_13 : vector<5000x128xf32>
    %get3A_15 = arith.constant 0 : index
    %get3A_16 = arith.constant 0 : index
    %get3A_17 = vector.load %arg3[%get3A_15, %get3A_16] : memref<5000x128xf32, #tpu.memory_space<vmem>>, vector<5000x128xf32>
    %mul3A_18 = vector.broadcast %select_n3A : vector<5000x1xf32> to vector<5000x128xf32>
    %mul3A_19 = arith.mulf %mul3A_18, %get3A_17 : vector<5000x128xf32>
    %add3A_20 = arith.addf %add3A_14, %mul3A_19 : vector<5000x128xf32>
    %mul3A_21 = vector.broadcast %slice3A : vector<5000x1xf32> to vector<5000x128xf32>
    %mul3A_22 = arith.mulf %add3A_20, %mul3A_21 : vector<5000x128xf32>
    %get3A_23 = arith.constant 0 : index
    %get3A_24 = arith.constant 0 : index
    %get3A_25 = vector.load %arg5[%get3A_23, %get3A_24] : memref<1x128xf32, #tpu.memory_space<vmem>>, vector<1x128xf32>
    %add3A_26 = vector.broadcast %get3A_25 : vector<1x128xf32> to vector<5000x128xf32>
    %add3A_27 = arith.addf %mul3A_22, %add3A_26 : vector<5000x128xf32>
    %get3A_28 = arith.constant 0 : index
    %get3A_29 = arith.constant 0 : index
    %get3A_30 = arith.constant 0 : index
    %get3A_31 = vector.load %arg6[%get3A_28, %get3A_29, %get3A_30] : memref<1x1x5000xi32, #tpu.memory_space<vmem>>, vector<1x1x5000xi32>
    %get3A_32 = vector.shape_cast %get3A_31 : vector<1x1x5000xi32> to vector<1x5000xi32>
    %iota3A_33 = tpu.iota {dimensions = array<i32: 0>} : vector<64x5000xi32>
    %eq3A = vector.broadcast %get3A_32 : vector<1x5000xi32> to vector<64x5000xi32>
    %eq3A_34 = arith.cmpi eq, %iota3A_33, %eq3A : vector<64x5000xi32>
    %convert_element_type3A = arith.extui %eq3A_34 : vector<64x5000xi1> to vector<64x5000xi32>
    %convert_element_type3A_35 = arith.sitofp %convert_element_type3A : vector<64x5000xi32> to vector<64x5000xf32>
    %dot_general3A = arith.constant dense<0.000000e+00> : vector<64x128xf32>
    %dot_general3A_36 = tpu.matmul %convert_element_type3A_35, %add3A_27, %dot_general3A {dimension_numbers = #tpu.dot_dimension_numbers<[1], [0], [0], [1], [0, 0, 1, 1], [], []>, transpose_lhs_hint = false} : vector<64x5000xf32>, vector<5000x128xf32>, vector<64x128xf32> -> vector<64x128xf32>
    %reduce_sum3A = arith.constant dense<0.000000e+00> : vector<64xf32>
    %reduce_sum3A_37 = vector.multi_reduction <add>, %convert_element_type3A_35, %reduce_sum3A [1] : vector<64x5000xf32> to vector<64xf32>
    %broadcast_in_dim3A_38 = vector.shape_cast %reduce_sum3A_37 : vector<64xf32> to vector<64x1xf32>
    %broadcast_in_dim3A_39 = vector.shape_cast %broadcast_in_dim3A_38 : vector<64x1xf32> to vector<64x1xf32>
    %broadcast_in_dim3A_40 = vector.broadcast %broadcast_in_dim3A_39 : vector<64x1xf32> to vector<64x128xf32>
    %eq3A_41 = arith.constant 0 : i32
    %eq3A_42 = arith.cmpi eq, %arg0, %eq3A_41 : i32
    %convert_element_type3A_43 = arith.extui %eq3A_42 : i1 to i32
    %cond3A = arith.constant 0 : i32
    %cond3A_44 = arith.cmpi ne, %convert_element_type3A_43, %cond3A : i32
    scf.if %cond3A_44 {
      %broadcast_in_dim3A_63 = arith.constant 0.000000e+00 : f32
      %broadcast_in_dim3A_64 = vector.broadcast %broadcast_in_dim3A_63 : f32 to vector<64x128xf32>
      %swap3A_65 = arith.constant 0 : index
      %swap3A_66 = arith.constant 0 : index
      %swap3A_67 = vector.load %arg10[%swap3A_65, %swap3A_66] : memref<64x128xf32, #tpu.memory_space<vmem>>, vector<64x128xf32>
      tpu.vector_store %arg10[%swap3A_65, %swap3A_66], %broadcast_in_dim3A_64 {strides = array<i32>} : memref<64x128xf32, #tpu.memory_space<vmem>>, vector<64x128xf32>,
      %broadcast_in_dim3A_68 = arith.constant 0.000000e+00 : f32
      %broadcast_in_dim3A_69 = vector.broadcast %broadcast_in_dim3A_68 : f32 to vector<64x128xf32>
      %swap3A_70 = arith.constant 0 : index
      %swap3A_71 = arith.constant 0 : index
      %swap3A_72 = vector.load %arg11[%swap3A_70, %swap3A_71] : memref<64x128xf32, #tpu.memory_space<vmem>>, vector<64x128xf32>
      tpu.vector_store %arg11[%swap3A_70, %swap3A_71], %broadcast_in_dim3A_69 {strides = array<i32>} : memref<64x128xf32, #tpu.memory_space<vmem>>, vector<64x128xf32>,
    } else {
    }
    %get3A_45 = arith.constant 0 : index
    %get3A_46 = arith.constant 0 : index
    %get3A_47 = vector.load %arg10[%get3A_45, %get3A_46] : memref<64x128xf32, #tpu.memory_space<vmem>>, vector<64x128xf32>
    %add3A_48 = arith.addf %get3A_47, %dot_general3A_36 : vector<64x128xf32>
    %swap3A = arith.constant 0 : index
    %swap3A_49 = arith.constant 0 : index
    %swap3A_50 = vector.load %arg10[%swap3A, %swap3A_49] : memref<64x128xf32, #tpu.memory_space<vmem>>, vector<64x128xf32>
    tpu.vector_store %arg10[%swap3A, %swap3A_49], %add3A_48 {strides = array<i32>} : memref<64x128xf32, #tpu.memory_space<vmem>>, vector<64x128xf32>,
    %get3A_51 = arith.constant 0 : index
    %get3A_52 = arith.constant 0 : index
    %get3A_53 = vector.load %arg11[%get3A_51, %get3A_52] : memref<64x128xf32, #tpu.memory_space<vmem>>, vector<64x128xf32>
    %add3A_54 = arith.addf %get3A_53, %broadcast_in_dim3A_40 : vector<64x128xf32>
    %swap3A_55 = arith.constant 0 : index
    %swap3A_56 = arith.constant 0 : index
    %swap3A_57 = vector.load %arg11[%swap3A_55, %swap3A_56] : memref<64x128xf32, #tpu.memory_space<vmem>>, vector<64x128xf32>
    tpu.vector_store %arg11[%swap3A_55, %swap3A_56], %add3A_54 {strides = array<i32>} : memref<64x128xf32, #tpu.memory_space<vmem>>, vector<64x128xf32>,
    %eq3A_58 = arith.constant 1 : i32
    %eq3A_59 = arith.cmpi eq, %arg0, %eq3A_58 : i32
    %convert_element_type3A_60 = arith.extui %eq3A_59 : i1 to i32
    %cond3A_61 = arith.constant 0 : i32
    %cond3A_62 = arith.cmpi ne, %convert_element_type3A_60, %cond3A_61 : i32
    scf.if %cond3A_62 {
      %get3A_63 = arith.constant 0 : index
      %get3A_64 = arith.constant 0 : index
      %get3A_65 = vector.load %arg10[%get3A_63, %get3A_64] : memref<64x128xf32, #tpu.memory_space<vmem>>, vector<64x128xf32>
      %get3A_66 = arith.constant 0 : index
      %get3A_67 = arith.constant 0 : index
      %get3A_68 = vector.load %arg11[%get3A_66, %get3A_67] : memref<64x128xf32, #tpu.memory_space<vmem>>, vector<64x128xf32>
      %max3A = arith.constant 1.000000e+00 : f32
      %max3A_69 = vector.broadcast %max3A : f32 to vector<64x128xf32>
      %max3A_70 = arith.maximumf %get3A_68, %max3A_69 : vector<64x128xf32>
      %div3A = arith.divf %get3A_65, %max3A_70 : vector<64x128xf32>
      %get3A_71 = arith.constant 0 : index
      %get3A_72 = arith.constant 0 : index
      %get3A_73 = vector.load %arg7[%get3A_71, %get3A_72] : memref<128x128xf32, #tpu.memory_space<vmem>>, vector<128x128xf32>
      %dot_general3A_74 = arith.constant dense<0.000000e+00> : vector<64x128xf32>
      %dot_general3A_75 = tpu.matmul %div3A, %get3A_73, %dot_general3A_74 {dimension_numbers = #tpu.dot_dimension_numbers<[1], [0], [0], [1], [0, 0, 1, 1], [], []>, transpose_lhs_hint = false} : vector<64x128xf32>, vector<128x128xf32>, vector<64x128xf32> -> vector<64x128xf32>
      %get3A_76 = arith.constant 0 : index
      %get3A_77 = arith.constant 0 : index
      %get3A_78 = vector.load %arg8[%get3A_76, %get3A_77] : memref<1x128xf32, #tpu.memory_space<vmem>>, vector<1x128xf32>
      %add3A_79 = vector.broadcast %get3A_78 : vector<1x128xf32> to vector<64x128xf32>
      %add3A_80 = arith.addf %dot_general3A_75, %add3A_79 : vector<64x128xf32>
      %swap3A_81 = arith.constant 0 : index
      %swap3A_82 = arith.constant 0 : index
      %swap3A_83 = vector.load %arg9[%swap3A_81, %swap3A_82] : memref<64x128xf32, #tpu.memory_space<vmem>>, vector<64x128xf32>
      tpu.vector_store %arg9[%swap3A_81, %swap3A_82], %add3A_80 {strides = array<i32>} : memref<64x128xf32, #tpu.memory_space<vmem>>, vector<64x128xf32>,
    } else {
    }
    return
  }
  func.func @transform_0(%arg0: i32) -> (i32, i32) {
    %c0_i32 = arith.constant 0 : i32
    %c0_i32_0 = arith.constant 0 : i32
    return %arg0, %c0_i32 : i32, i32
  }
  func.func @transform_1(%arg0: i32) -> (i32, i32) {
    %c0_i32 = arith.constant 0 : i32
    %c0_i32_0 = arith.constant 0 : i32
    return %arg0, %c0_i32 : i32, i32
  }
  func.func @transform_2(%arg0: i32) -> (i32, i32) {
    %c0_i32 = arith.constant 0 : i32
    %c0_i32_0 = arith.constant 0 : i32
    return %arg0, %c0_i32 : i32, i32
  }
  func.func @transform_3(%arg0: i32) -> (i32, i32) {
    %c0_i32 = arith.constant 0 : i32
    %c0_i32_0 = arith.constant 0 : i32
    return %arg0, %c0_i32 : i32, i32
  }
  func.func @transform_4(%arg0: i32) -> (i32, i32) {
    %c0_i32 = arith.constant 0 : i32
    %c0_i32_0 = arith.constant 0 : i32
    %c0_i32_1 = arith.constant 0 : i32
    return %c0_i32, %c0_i32_0 : i32, i32
  }
  func.func @transform_5(%arg0: i32) -> (i32, i32, i32) {
    %c0_i32 = arith.constant 0 : i32
    %c0_i32_0 = arith.constant 0 : i32
    %c0_i32_1 = arith.constant 0 : i32
    return %arg0, %c0_i32, %c0_i32_0 : i32, i32, i32
  }
  func.func @transform_6(%arg0: i32) -> (i32, i32) {
    %c0_i32 = arith.constant 0 : i32
    %c0_i32_0 = arith.constant 0 : i32
    %c0_i32_1 = arith.constant 0 : i32
    return %c0_i32, %c0_i32_0 : i32, i32
  }
  func.func @transform_7(%arg0: i32) -> (i32, i32) {
    %c0_i32 = arith.constant 0 : i32
    %c0_i32_0 = arith.constant 0 : i32
    %c0_i32_1 = arith.constant 0 : i32
    return %c0_i32, %c0_i32_0 : i32, i32
  }
  func.func @transform_8(%arg0: i32) -> (i32, i32) {
    %c0_i32 = arith.constant 0 : i32
    %c0_i32_0 = arith.constant 0 : i32
    %c0_i32_1 = arith.constant 0 : i32
    return %c0_i32, %c0_i32_0 : i32, i32
  }
}

</mosaic_0001>

<sc_bundles>
// kernel: kernel.11.cloned.1.call-start
scs
__scs_entry_jumppad:
0x0: {  	(pc) =	sbr.rel $0x88, $3  }
0x1: {  	(tag) =	ssettag $0x0;
	lr =	simm.s32 $0x1  }
0x2: {  	[smem:$0x3F98] =	sst lr;
	_ =	strace $0xD0000000  }
0x3: {  	_ = 	snop  }
0x4: {  	_ = 	snop  }
0x5: {  	_ = 	snop  }
0x6: {  	_ = 	snop  }
0x7: {  	_ = 	snop  }
__scs_overlays_trampoline_lowered:
0x8: {  	[smem:$0x3FA7] =	sst s0  }
0x9: {  	[smem:$0x3FA8] =	sst s1  }
0xa: {  	[smem:$0x3FA9] =	sst s2  }
0xb: {  	[smem:$0x3FAA] =	sst s3  }
0xc: {  	[smem:$0x3FAB] =	sst s4  }
0xd: {  	[smem:$0x3FAC] =	sst s5  }
0xe: {  	[smem:$0x3FAD] =	sst s6  }
0xf: {  	[smem:$0x3FAE] =	sst s7  }
0x10: {  	[smem:$0x3FAF] =	sst s8  }
0x11: {  	[smem:$0x3FB0] =	sst s9;
	s0 =	simm.s32 @!p0 $0x0  }
0x12: {  	s1 =	sld [smem:$0x3F96];
	s0 =	simm.s32 @p0 $0x1  }
0x13: {  	[smem:$0x3FB1] =	sst s0;
	s0 =	simm.s32 @!p1 $0x0  }
0x14: {  	s2 =	sld [smem:$0x3F95];
	s0 =	simm.s32 @p1 $0x1  }
0x15: {  	[smem:$0x3FB2] =	sst s0;
	s0 =	simm.s32 @!p2 $0x0  }
0x16: {  	s3 =	sld [smem:$0x3FDB];
	s0 =	simm.s32 @p2 $0x1  }
0x17: {  	s4 =	simm.s32 $0x1BF5;
	[smem:$0x3FB4] =	sst s0  }
0x18: {  	s0 =	sld [smem:$0x3F97];
	_ =	swait.ge [sflag:s4], $0x0  }
0x19: {  	s7 =	sld [smem:$0x3F98]  }
0x1a: {  	s8 =	sadd.s32 $0xFFFFE003, lr  }
0x1b: {  	s9 =	sadd.s32 $0xFFFFFEF7, lr;
	s5 =	simm.s32 $0xFFFFFFFF;
	p2 =	slt.u32 s8, $0xFFFFF086  }
0x1c: {  	p1 =	slt.u32 s9, $0xF7A;
	s5 =	simm.s32 @!p2 $0x0  }
0x1d: {  	s5 =	simm.s32 @p1 $0x1;
	p0 =	seq.s32 s7, s2  }
0x1e: {  	s7 =	smul.u32 @!p0 $0xF7A, s2;
	p2 =	seq.s32 @!p0 s5, $0x0  }
0x1f: {  	s9 =	smul.u32 $0xF7A, s1;
	s8 =	simm.s32 @!p0 $0x1BF5;
	p2 =	por !p2, p0  }
0x20: {  	[sflag:s8] =	ssyncset.s32 @!p0 $0xFFFFF086;
	s6 =	sadd.s32 @!p0 s3, s7;
	s7 =	simm.s32 @!p0 $0x108  }
0x21: {  	s3 =	sadd.s32 s3, s9;
	s6 =	sadd.s32 @!p0 $0x88, s6;
	s7 =	simm.s32 @p2 $0x1082  }
0x22: {  	[simem:s7], [sflag:s8] =	dma.local @!p0 [hbm:s6], $0xF7A  }
0x23: {  	s9 =	sor.u32 $0xD0000000, s2;
	s6 =	simm.s32 $0x108;
	_ =	swait.ge @!p0 [sflag:s8], $0x0  }
0x24: {  	s3 =	sadd.s32 $0x88, s3;
	s6 =	simm.s32 @!p1 $0x1082;
	[sflag:s4] =	ssyncset.s32 $0xFFFFF086  }
0x25: {  	[simem:s6], [sflag:s4] =	dma.local [hbm:s3], $0xF7A  }
0x26: {  	[smem:$0x3F98] =	sst s1;
	(tag) =	ssettag s2;
	_ =	strace s9  }
0x27: {  	s1 =	sld [smem:$0x3FA8]  }
0x28: {  	s2 =	sld [smem:$0x3FA9]  }
0x29: {  	s4 =	sld [smem:$0x3FAB]  }
0x2a: {  	p0 =	seq.s32 s5, $0x0;
	s5 =	sld [smem:$0x3FAC]  }
0x2b: {  	s6 =	sld [smem:$0x3FAD]  }
0x2c: {  	s7 =	sld [smem:$0x3FAE]  }
0x2d: {  	s3 =	simm.s32 $0x108;
	s8 =	sld [smem:$0x3FAF]  }
0x2e: {  	s3 =	simm.s32 @!p0 $0x1082;
	s9 =	sld [smem:$0x3FB0]  }
0x2f: {  	lr =	sadd.s32 s0, s3;
	s0 =	sld [smem:$0x3FA7]  }
0x30: {  	s3 =	sld [smem:$0x3FAA]  }
0x31: {  	[smem:$0x3FB3] =	sst s10  }
0x32: {  	s10 =	sld [smem:$0x3FB1];
	_ =	sdelay $0x3  }
0x33: {  	p0 =	seq.s32 s10, $0x1;
	s10 =	sld [smem:$0x3FB3];
	_ =	sdelay $0x3  }
0x34: {  	[smem:$0x3FB3] =	sst s10  }
0x35: {  	s10 =	sld [smem:$0x3FB2];
	_ =	sdelay $0x3  }
0x36: {  	p1 =	seq.s32 s10, $0x1;
	s10 =	sld [smem:$0x3FB3];
	_ =	sdelay $0x3  }
0x37: {  	[smem:$0x3FB3] =	sst s10  }
0x38: {  	s10 =	sld [smem:$0x3FB4]  }
0x39: {  	_ = 	snop;
	(pc) =	sbr.ind lr, $3  }
0x3a: {  	_ = 	snop  }
0x3b: {  	_ = 	snop  }
0x3c: {  	p2 =	seq.s32 s10, $0x1;
	s10 =	sld [smem:$0x3FB3]  }
0x3d: {  	_ =	shalt  }
0x3e: {  	_ =	shalt  }
0x3f: {  	_ =	shalt  }
0x40: {  	_ =	shalt  }
0x41: {  	_ =	shalt  }
0x42: {  	_ =	shalt  }
0x43: {  	_ =	shalt  }
0x44: {  	_ =	shalt  }
0x45: {  	_ =	shalt  }
0x46: {  	_ =	shalt  }
0x47: {  	_ =	shalt  }
0x48: {  	_ =	shalt  }
0x49: {  	_ =	shalt  }
0x4a: {  	_ =	shalt  }
0x4b: {  	_ =	shalt  }
0x4c: {  	_ =	shalt  }
0x4d: {  	_ =	shalt  }
0x4e: {  	_ =	shalt  }
0x4f: {  	_ =	shalt  }
0x50: {  	_ =	shalt  }
0x51: {  	_ =	shalt  }
0x52: {  	_ =	shalt  }
0x53: {  	_ =	shalt  }
0x54: {  	_ =	shalt  }
0x55: {  	_ =	shalt  }
0x56: {  	_ =	shalt  }
0x57: {  	_ =	shalt  }
0x58: {  	_ =	shalt  }
0x59: {  	_ =	shalt  }
0x5a: {  	_ =	shalt  }
0x5b: {  	_ =	shalt  }
0x5c: {  	_ =	shalt  }
0x5d: {  	_ =	shalt  }
0x5e: {  	_ =	shalt  }
0x5f: {  	_ =	shalt  }
0x60: {  	_ =	shalt  }
0x61: {  	_ =	shalt  }
0x62: {  	_ =	shalt  }
0x63: {  	_ =	shalt  }
0x64: {  	_ =	shalt  }
0x65: {  	_ =	shalt  }
0x66: {  	_ =	shalt  }
0x67: {  	_ =	shalt  }
0x68: {  	_ =	shalt  }
0x69: {  	_ =	shalt  }
0x6a: {  	_ =	shalt  }
0x6b: {  	_ =	shalt  }
0x6c: {  	_ =	shalt  }
0x6d: {  	_ =	shalt  }
0x6e: {  	_ =	shalt  }
0x6f: {  	_ =	shalt  }
0x70: {  	_ =	shalt  }
0x71: {  	_ =	shalt  }
0x72: {  	_ =	shalt  }
0x73: {  	_ =	shalt  }
0x74: {  	_ =	shalt  }
0x75: {  	_ =	shalt  }
0x76: {  	_ =	shalt  }
0x77: {  	_ =	shalt  }
0x78: {  	_ =	shalt  }
0x79: {  	_ =	shalt  }
0x7a: {  	_ =	shalt  }
0x7b: {  	_ =	shalt  }
0x7c: {  	_ =	shalt  }
0x7d: {  	_ =	shalt  }
0x7e: {  	_ =	shalt  }
0x7f: {  	_ =	shalt  }
0x80: {  	_ =	shalt  }
0x81: {  	_ =	shalt  }
0x82: {  	_ =	shalt  }
0x83: {  	_ =	shalt  }
0x84: {  	_ =	shalt  }
0x85: {  	_ =	shalt  }
0x86: {  	_ =	shalt  }
0x87: {  	_ =	shalt  }
.Lfunc_end0:
.L_simem_size_0:
called_computation.1_lowered:
.L_overlay_start_0:
0x88: {  	s2 =	sld [smem:$0x3FD9]  }
0x89: {  	s3 =	sld [smem:$0x3FFE];
	_ =	sdelay $0x1  }
0x8a: {  	s1 =	srdreg.scid  }
0x8b: {  	s0 =	sand.u32 $0x1, s1  }
0x8c: {  	s16 =	sshll.u32 s0, $0xA;
	s2 =	sadd.s32 s3, s2  }
0x8d: {  	s2 =	sadd.s32 s2, s16  }
0x8e: {  	[smem:$0x3FBF] =	sst s2  }
0x8f: {  	_ = 	snop  }
0x90: {  	(tm) =	ssettm $0x1  }
0x91: {  	s17 =	sld [smem:$0x3FFB];
	_ =	sdelay $0x3  }
0x92: {  	_ =	strace s17  }
0x93: {  	s2 =	sld [smem:$0x3FFC];
	_ =	sdelay $0x3  }
0x94: {  	_ =	strace s2  }
0x95: {  	s2 =	sld [smem:$0x3FFD];
	_ =	sdelay $0x3  }
0x96: {  	_ =	strace s2  }
0x97: {  	_ =	strace $0x8FFFFFFF  }
0x98: {  	s18 =	sld [smem:$0x3FDB];
	_ =	sdelay $0x1  }
0x99: {  	s19 =	simm.s32 $_scs_section_size  }
0x9a: {  	s4 =	simm.s32 $_size__tile_overlayer_lowered;
	s5 =	simm.s32 $_tile_overlayer_lowered  }
0x9b: {  	s22 =	simm.s32 $0x1BFF;
	s21 =	sshll.u32 s5, $0x1;
	s2 =	sadd.s32 s19, s18  }
0x9c: {  	s6 =	simm.s32 $0x0;
	s20 =	sshll.u32 s4, $0x1;
	s4 =	sadd.s32 s21, s2  }
0x9d: {  	[timem:s6], [sflag:s22] =	dma.local [hbm:s4], s20  }
0x9e: {  	_ =	swait.ge [sflag:s22], s20  }
0x9f: {  	s3 =	ssub.s32 $0x0, s20;
	[sflag:s22] =	ssyncset.done $0x0  }
0xa0: {  	[sflag:s22] =	ssyncadd.s32 s3;
	_ =	sdelay $0x1  }
0xa1: {  	s23 =	simm.s32 $0x1B8B  }
0xa2: {  	_ =	swait.ge [sflag:s23], $0x1  }
0xa3: {  	[sflag:s23] =	ssyncset.done $0x0  }
0xa4: {  	s25 =	simm.s32 $0x1B8E;
	s24 =	sld [smem:$0x3FFE];
	[sflag:s23] =	ssyncadd.s32 $0xFFFFFFFF  }
0xa5: {  	s26 =	simm.s32 $execute0_lowered;
	[smem:$0x3FD2] =	sst s25  }
0xa6: {  	s4 =	sshll.u32 s26, $0x1;
	_ =	strace $0x80000049;
	[dreg:$0x1] =	wrdreg $0xFFFFFFFF  }
0xa7: {  	s28 =	simm.s32 $_size_execute0_lowered;
	s2 =	sadd.s32 s2, s4;
	[dreg:$0x0] =	wrdreg $0x0  }
0xa8: {  	s4 =	sshll.u32 s28, $0x1;
	[dreg:$0x2] =	wrdreg s2  }
0xa9: {  	[dreg:$0x3] =	wrdreg s4  }
0xaa: {  	[dreg:$0x4] =	wrdreg $0xC0  }
0xab: {  	_ =	task [dreg:s6], $0x5FFFF  }
0xac: {  	[dreg:$0x1] =	wrdreg $0xFFFFFFFF  }
0xad: {  	[dreg:$0x0] =	wrdreg $0x60  }
0xae: {  	[dreg:$0x2] =	wrdreg s24  }
0xaf: {  	[dreg:$0x3] =	wrdreg $0xBC000  }
0xb0: {  	[dreg:$0x4] =	wrdreg $0x9  }
0xb1: {  	_ =	task.clear_ibuf [dreg:s6], $0x5FFFF;
	_ =	strace $0x90000049  }
0xb2: {  	s29 =	simm.s32 $0x9;
	_ =	strace $0x8000004B  }
0xb3: {  	_ =	swait.ge [sflag:s29], $0x1  }
0xb4: {  	[sflag:s29] =	ssyncadd.s32 $0xFFFFFFFF  }
0xb5: {  	_ =	strace $0x9000004B  }
0xb6: {  	_ =	sfence  }
0xb7: {  	s30 =	sld [smem:$0x0];
	_ =	sdelay $0x2  }
0xb8: {  	s31 =	sshll.u32 s1, $0xD;
	s1 =	sshrl.u32 s1, $0x2  }
0xb9: {  	s3 =	sand.u32 $0x4000, s31;
	s1 =	sadd.s32 s1, s30  }
0xba: {  	s0 =	sor.u32 s3, s0;
	s1 =	sshll.u32 s1, $0x11  }
0xbb: {  	s0 =	sor.u32 s1, s0  }
0xbc: {  	s0 =	sadd.s32 $0x8F2B, s0  }
0xbd: {  	[sflag:s0] =	ssyncadd.remote.s32 $0x1  }
0xbe: {  	_ =	sfence.sel $0xFFFF  }
0xbf: {  	[dreg:$0x0] =	wrdreg $0xFFFFFFFF;
	(pc) =	sbr.abs _section_cstart, $3  }
0xc0: {  	[dreg:$0x1] =	wrdreg $0xFFFFFFFF  }
0xc1: {  	_ =	task.clear_ibuf [dreg:s6], $0x2FFFF;
	_ =	strace $0x9FFFFFFF  }
0xc2: {  	(tm) =	ssettm $0x7FFFFFFF  }
0xc3: {  	_ =	shalt  }
tec
execute0_lowered:
.L_overlay_start_1:
0x0: {  	(tag) =	ssettag $0x1  }
0x1: {  	s0 =	srdreg.scid;
	s1 =	rddreg [dreg:$0x0]  }
0x2: {  	s6 =	stileid.u32;
	s2 =	rddreg [dreg:$0x1]  }
0x3: {  	s19 =	simm.s32 $0x1;
	s20 =	simm.s32 $0x3;
	s21 =	simm.s32 $0x4  }
0x4: {  	s22 =	simm.s32 $0x80;
	s28 =	simm.s32 $0x1380;
	s29 =	simm.s32 $0x2700  }
0x5: {  	s30 =	simm.s32 $0x2780;
	s31 =	simm.s32 $0x3B00;
	s0 =	sand.u32 $0x1, s0  }
0x6: {  	s5 =	sadd.s32 $0x66800, s1;
	s10 =	smul.u32 $0x4E200, s6;
	s7 =	sadd.s32 $0x69000, s1  }
0x7: {  	s16 =	sadd.s32 $0x90200, s1;
	s13 =	smul.u32 $0x13800, s6;
	s25 =	sadd.s32 $0x138000, s2  }
0x8: {  	p1 =	sne.s32 s6, $0xF;
	p2 =	seq.s32 s6, $0xF;
	s3 =	sshll.u32 s0, $0x4  }
0x9: {  	s8 =	ssub.s32 $0x2, s0;
	p0 =	seq.s32 s0, $0x1;
	s25 =	sshrl.u32 s25, $0x3  }
0xa: {  	s0 =	simm.s32 $0x0;
	s4 =	sor.u32 s6, s3;
	s3 =	simm.s32 $0x0  }
0xb: {  	s9 =	sshrl.u32 s8, $0x1;
	s10 =	sshrl.u32 s10, $0x2;
	s15 =	sshrl.u32 s13, $0x3  }
0xc: {  	s14 =	sadd.s32 s13, s2;
	s4 =	smul.u32 $0x2800, s4;
	[smem:$0x7FF] =	sst s3  }
0xd: {  	s24 =	sadd.s32 s7, s15;
	_ =	strace $0x8000004A;
	[dreg:$0x3] =	wrdreg s7  }
0xe: {  	s23 =	ssub.s32 s8, s9;
	s8 =	sshll.u32 s6, $0x6;
	[dreg:$0x5] =	wrdreg s24  }
0xf: {  	s17 =	sadd.s32 s10, s2;
	s26 =	sadd.s32 s16, s15;
	[dreg:$0x4] =	wrdreg s16  }
.Ltmp0:
0x10: {  	s10 =	sor.u32 $0x1C03, s8;
	[dreg:$0x6] =	wrdreg s26;
	(pc) =	sbr.rel .LBB2_1-.Ltmp0, $4  }
0x11: {  	s16 =	smax.u32 s23, $0x1;
	s18 =	sshrl.u32 s17, $0x3;
	s23 =	simm.s32 $0x3C00  }
0x12: {  	s24 =	simm.s32 $0x7C00;
	s26 =	simm.s32 $0x2;
	s4 =	sshrl.u32 s4, $0x3  }
0x13: {  	s12 =	sadd.s32 s4, s1;
	s4 =	sadd.s32 $0x18400, s1;
	s1 =	simm.s32 $0x3B80  }
0x14: {  	s9 =	sadd.s32 $0xE400, s12;
	s11 =	sadd.s32 $0x4400, s12;
	s12 =	sadd.s32 $0x4680, s12  }
.LBB2_8:
0x15: {  	s6 =	sadd.s32 $0x27000, s13  }
0x16: {  	[hbm:s6], [sflag:s17] =	dma.local [spmem:s25], $0x100  }
0x17: {  	_ =	swait.ge [sflag:s21], $0x100  }
0x18: {  	[sflag:s21] =	ssyncset.done $0x0  }
0x19: {  	[sflag:s21] =	ssyncadd.s32 $0xFFFFFF00  }
.LBB2_9:
0x1a: {  	s0 =	sadd.s32 $0x1, s0  }
0x1b: {  	p3 =	sne.s32 s0, s16  }
.Ltmp1:
0x1c: {  	_ = 	snop;
	(pc) =	sbr.rel @!p3 .LBB2_10-.Ltmp1, $1  }
0x1d: {  	_ =	sdelay $0x3  }
.LBB2_1:
0x1e: {  	s6 =	simm.s32 $0x1400  }
0x1f: {  	[tilespmem:s6], [sflag:$0x1] =	stream.linear.gather [hbm4b:s9+s3], $0x2800, $0x38;
	[tilespmem:$0x1F480] =	vst v63  }
0x20: {  	[spmem:s18], [sflag:s10] =	dma.local [hbm:s5], $0x2710  }
0x21: {  	_ =	swait.ge [sflag:s19], $0x2800  }
0x22: {  	[sflag:s19] =	ssyncset.done $0x0  }
0x23: {  	[sflag:s19] =	ssyncadd.s32 $0xFFFFD800  }
0x24: {  	_ =	swait.ge [sflag:s20], $0x2710  }
0x25: {  	[sflag:s20] =	ssyncset.done $0x0  }
0x26: {  	[sflag:s20] =	ssyncadd.s32 $0xFFFFD8F0  }
0x27: {  	[bflag:$0x0] =	sbarrier.arrive $0xFFFF  }
0x28: {  	[tilespmem:s3], [sflag:$0x4] =	stream.linear.gather [hbm4b:s11+s3], $0x1400, $0x38;
	[tilespmem:$0x1F480] =	vst v63  }
0x29: {  	_ =	swait.ge [sflag:s21], $0x1400  }
0x2a: {  	[sflag:s21] =	ssyncset.done $0x0  }
0x2b: {  	[sflag:s21] =	ssyncadd.s32 $0xFFFFEC00  }
0x2c: {  	[tilespmem:s23], [sflag:$0x1] =	stream.indirect.gather [hbm4b:s4+s22], $0x80, s3, s22, $0xb8;
	[tilespmem:$0x1F480] =	vst v63  }
0x2d: {  	s13 =	simm.s32 $0x80  }
0x2e: {  	[tilespmem:s24], [sflag:$0x2] =	stream.indirect.gather [hbm4b:s4+s22], $0x80, s13, s22, $0xb8;
	[tilespmem:$0x1F480] =	vst v63  }
0x2f: {  	_ =	swait.ge [sflag:s19], $0x4000  }
0x30: {  	[sflag:s19] =	ssyncset.done $0x0  }
0x31: {  	s7 =	simm.s32 $0x1400;
	[sflag:s19] =	ssyncadd.s32 $0xFFFFC000  }
0x32: {  	[spmem:s2] =	stream.indirect.scatter.add.f32 [tilespmem:s23], [sflag:$0x4], $0x80, s7, s22, $0xb8;
	[tilespmem:$0x1F480] =	vst v63  }
0x33: {  	_ =	swait.ge [sflag:s21], $0x4000  }
0x34: {  	[sflag:s21] =	ssyncset.done $0x0  }
0x35: {  	s15 =	simm.s32 $0x100;
	[sflag:s21] =	ssyncadd.s32 $0xFFFFC000  }
0x36: {  	[tilespmem:s23], [sflag:$0x1] =	stream.indirect.gather [hbm4b:s4+s22], $0x80, s15, s22, $0xb8;
	[tilespmem:$0x1F480] =	vst v63  }
0x37: {  	_ =	swait.ge [sflag:s26], $0x4000  }
0x38: {  	[sflag:s26] =	ssyncset.done $0x0  }
0x39: {  	s17 =	simm.s32 $0x1480;
	[sflag:s26] =	ssyncadd.s32 $0xFFFFC000  }
0x3a: {  	[spmem:s2] =	stream.indirect.scatter.add.f32 [tilespmem:s24], [sflag:$0x4], $0x80, s17, s22, $0xb8;
	[tilespmem:$0x1F480] =	vst v63  }
0x3b: {  	_ =	swait.ge [sflag:s21], $0x4000  }
0x3c: {  	s13 =	simm.s32 $0x800;
	s17 =	simm.s32 $0x100;
	[sflag:s21] =	ssyncset.done $0x0  }
.LBB2_2:
0x3d: {  	s15 =	sadd.s32 $0x80, s17  }
0x3e: {  	[sflag:s21] =	ssyncadd.s32 $0xFFFFC000;
	s6 =	smov.u32 s13;
	s7 =	sadd.s32 $0x400, s13  }
0x3f: {  	[tilespmem:s24], [sflag:$0x2] =	stream.indirect.gather [hbm4b:s4+s22], $0x80, s15, s22, $0xb8;
	[tilespmem:$0x1F480] =	vst v63  }
0x40: {  	p3 =	sne.s32 s13, $0x4800;
	_ =	swait.ge [sflag:s19], $0x4000  }
0x41: {  	[sflag:s19] =	ssyncset.done $0x0  }
0x42: {  	s13 =	sadd.s32 $0x1400, s17;
	[sflag:s19] =	ssyncadd.s32 $0xFFFFC000  }
0x43: {  	[spmem:s2] =	stream.indirect.scatter.add.f32 [tilespmem:s23], [sflag:$0x4], $0x80, s13, s22, $0xb8;
	[tilespmem:$0x1F480] =	vst v63  }
0x44: {  	_ =	swait.ge [sflag:s21], $0x4000  }
0x45: {  	[sflag:s21] =	ssyncset.done $0x0  }
0x46: {  	s13 =	sadd.s32 $0x100, s17;
	[sflag:s21] =	ssyncadd.s32 $0xFFFFC000  }
0x47: {  	[tilespmem:s23], [sflag:$0x1] =	stream.indirect.gather [hbm4b:s4+s22], $0x80, s13, s22, $0xb8;
	[tilespmem:$0x1F480] =	vst v63  }
0x48: {  	_ =	swait.ge [sflag:s26], $0x4000  }
.Ltmp2:
0x49: {  	[sflag:s26] =	ssyncset.done $0x0;
	(pc) =	sbr.rel @p3 .LBB2_2-.Ltmp2, $4  }
0x4a: {  	s13 =	sadd.s32 $0x1480, s17;
	[sflag:s26] =	ssyncadd.s32 $0xFFFFC000  }
0x4b: {  	[spmem:s2] =	stream.indirect.scatter.add.f32 [tilespmem:s24], [sflag:$0x4], $0x80, s13, s22, $0xb8;
	[tilespmem:$0x1F480] =	vst v63  }
0x4c: {  	_ =	swait.ge [sflag:s21], $0x4000  }
0x4d: {  	s17 =	sshra.s32 s6, $0x2;
	s13 =	smov.u32 s7;
	[sflag:s21] =	ssyncset.done $0x0  }
0x4e: {  	s6 =	sadd.s32 $0x80, s17;
	[sflag:s21] =	ssyncadd.s32 $0xFFFFC000  }
0x4f: {  	[tilespmem:s24], [sflag:$0x2] =	stream.indirect.gather [hbm4b:s4+s22], $0x80, s6, s22, $0xb8;
	[tilespmem:$0x1F480] =	vst v63  }
0x50: {  	_ =	swait.ge [sflag:s19], $0x4000  }
0x51: {  	[sflag:s19] =	ssyncset.done $0x0  }
0x52: {  	s13 =	sadd.s32 $0x1400, s17;
	[sflag:s19] =	ssyncadd.s32 $0xFFFFC000  }
0x53: {  	[spmem:s2] =	stream.indirect.scatter.add.f32 [tilespmem:s23], [sflag:$0x4], $0x80, s13, s22, $0xb8;
	[tilespmem:$0x1F480] =	vst v63  }
0x54: {  	_ =	swait.ge [sflag:s21], $0x4000  }
0x55: {  	[sflag:s21] =	ssyncset.done $0x0  }
0x56: {  	s15 =	sadd.s32 $0x100, s17;
	[sflag:s21] =	ssyncadd.s32 $0xFFFFC000  }
0x57: {  	[tilespmem:s23], [sflag:$0x1] =	stream.indirect.gather [hbm4b:s4+s22], $0x80, s15, s22, $0xb8;
	[tilespmem:$0x1F480] =	vst v63  }
0x58: {  	_ =	swait.ge [sflag:s26], $0x4000  }
0x59: {  	[sflag:s26] =	ssyncset.done $0x0  }
0x5a: {  	s17 =	sadd.s32 $0x1480, s17;
	[sflag:s26] =	ssyncadd.s32 $0xFFFFC000  }
0x5b: {  	[spmem:s2] =	stream.indirect.scatter.add.f32 [tilespmem:s24], [sflag:$0x4], $0x80, s17, s22, $0xb8;
	[tilespmem:$0x1F480] =	vst v63  }
0x5c: {  	_ =	swait.ge [sflag:s21], $0x4000  }
0x5d: {  	[sflag:s21] =	ssyncset.done $0x0  }
0x5e: {  	[sflag:s21] =	ssyncadd.s32 $0xFFFFC000  }
0x5f: {  	[tilespmem:s24], [sflag:$0x2] =	stream.indirect.gather [hbm4b:s4+s22], $0x80, s28, s22, $0xb8;
	[tilespmem:$0x1F480] =	vst v63  }
0x60: {  	_ =	swait.ge [sflag:s19], $0x4000  }
0x61: {  	[sflag:s19] =	ssyncset.done $0x0  }
0x62: {  	[sflag:s19] =	ssyncadd.s32 $0xFFFFC000  }
0x63: {  	[spmem:s2] =	stream.indirect.scatter.add.f32 [tilespmem:s23], [sflag:$0x4], $0x80, s29, s22, $0xb8;
	[tilespmem:$0x1F480] =	vst v63  }
0x64: {  	_ =	swait.ge [sflag:s21], $0x4000  }
0x65: {  	[sflag:s21] =	ssyncset.done $0x0  }
0x66: {  	[sflag:s21] =	ssyncadd.s32 $0xFFFFC000  }
0x67: {  	_ =	swait.ge [sflag:s26], $0x4000  }
0x68: {  	[sflag:s26] =	ssyncset.done $0x0  }
0x69: {  	[sflag:s26] =	ssyncadd.s32 $0xFFFFC000  }
0x6a: {  	[spmem:s2] =	stream.indirect.scatter.add.f32 [tilespmem:s24], [sflag:$0x4], $0x80, s30, s22, $0xb8;
	[tilespmem:$0x1F480] =	vst v63  }
0x6b: {  	_ =	swait.ge [sflag:s21], $0x4000  }
0x6c: {  	[sflag:s21] =	ssyncset.done $0x0  }
0x6d: {  	[sflag:s21] =	ssyncadd.s32 $0xFFFFC000  }
0x6e: {  	[tilespmem:s3], [sflag:$0x4] =	stream.linear.gather [hbm4b:s12+s3], $0x1400, $0x38;
	[tilespmem:$0x1F480] =	vst v63  }
0x6f: {  	_ =	swait.ge [sflag:s21], $0x1400  }
0x70: {  	[sflag:s21] =	ssyncset.done $0x0  }
0x71: {  	[sflag:s21] =	ssyncadd.s32 $0xFFFFEC00  }
0x72: {  	[tilespmem:s23], [sflag:$0x1] =	stream.indirect.gather [hbm4b:s4+s22], $0x80, s3, s22, $0xb8;
	[tilespmem:$0x1F480] =	vst v63  }
0x73: {  	s7 =	simm.s32 $0x80  }
0x74: {  	[tilespmem:s24], [sflag:$0x2] =	stream.indirect.gather [hbm4b:s4+s22], $0x80, s7, s22, $0xb8;
	[tilespmem:$0x1F480] =	vst v63  }
0x75: {  	_ =	swait.ge [sflag:s19], $0x4000  }
0x76: {  	[sflag:s19] =	ssyncset.done $0x0  }
0x77: {  	s13 =	simm.s32 $0x2800;
	[sflag:s19] =	ssyncadd.s32 $0xFFFFC000  }
0x78: {  	[spmem:s2] =	stream.indirect.scatter.add.f32 [tilespmem:s23], [sflag:$0x4], $0x80, s13, s22, $0xb8;
	[tilespmem:$0x1F480] =	vst v63  }
0x79: {  	_ =	swait.ge [sflag:s21], $0x4000  }
0x7a: {  	[sflag:s21] =	ssyncset.done $0x0  }
0x7b: {  	s15 =	simm.s32 $0x100;
	[sflag:s21] =	ssyncadd.s32 $0xFFFFC000  }
0x7c: {  	[tilespmem:s23], [sflag:$0x1] =	stream.indirect.gather [hbm4b:s4+s22], $0x80, s15, s22, $0xb8;
	[tilespmem:$0x1F480] =	vst v63  }
0x7d: {  	_ =	swait.ge [sflag:s26], $0x4000  }
0x7e: {  	[sflag:s26] =	ssyncset.done $0x0  }
0x7f: {  	s17 =	simm.s32 $0x2880;
	[sflag:s26] =	ssyncadd.s32 $0xFFFFC000  }
0x80: {  	[spmem:s2] =	stream.indirect.scatter.add.f32 [tilespmem:s24], [sflag:$0x4], $0x80, s17, s22, $0xb8;
	[tilespmem:$0x1F480] =	vst v63  }
0x81: {  	_ =	swait.ge [sflag:s21], $0x4000  }
0x82: {  	s13 =	simm.s32 $0xFFFFBC00;
	s17 =	simm.s32 $0xFFFFEE00;
	[sflag:s21] =	ssyncset.done $0x0  }
.LBB2_4:
0x83: {  	s6 =	sadd.s32 $0x1380, s17  }
0x84: {  	[sflag:s21] =	ssyncadd.s32 $0xFFFFC000;
	s7 =	smov.u32 s13;
	s15 =	sadd.s32 $0x400, s13  }
0x85: {  	[tilespmem:s24], [sflag:$0x2] =	stream.indirect.gather [hbm4b:s4+s22], $0x80, s6, s22, $0xb8;
	[tilespmem:$0x1F480] =	vst v63  }
0x86: {  	p3 =	sne.s32 s13, $0xFFFFFC00;
	_ =	swait.ge [sflag:s19], $0x4000  }
0x87: {  	[sflag:s19] =	ssyncset.done $0x0  }
0x88: {  	s6 =	sadd.s32 $0x3B00, s17;
	[sflag:s19] =	ssyncadd.s32 $0xFFFFC000  }
0x89: {  	[spmem:s2] =	stream.indirect.scatter.add.f32 [tilespmem:s23], [sflag:$0x4], $0x80, s6, s22, $0xb8;
	[tilespmem:$0x1F480] =	vst v63  }
0x8a: {  	_ =	swait.ge [sflag:s21], $0x4000  }
0x8b: {  	[sflag:s21] =	ssyncset.done $0x0  }
0x8c: {  	s6 =	sadd.s32 $0x1400, s17;
	[sflag:s21] =	ssyncadd.s32 $0xFFFFC000  }
0x8d: {  	[tilespmem:s23], [sflag:$0x1] =	stream.indirect.gather [hbm4b:s4+s22], $0x80, s6, s22, $0xb8;
	[tilespmem:$0x1F480] =	vst v63  }
0x8e: {  	_ =	swait.ge [sflag:s26], $0x4000  }
.Ltmp3:
0x8f: {  	[sflag:s26] =	ssyncset.done $0x0;
	(pc) =	sbr.rel @p3 .LBB2_4-.Ltmp3, $4  }
0x90: {  	s6 =	sadd.s32 $0x3B80, s17;
	[sflag:s26] =	ssyncadd.s32 $0xFFFFC000  }
0x91: {  	[spmem:s2] =	stream.indirect.scatter.add.f32 [tilespmem:s24], [sflag:$0x4], $0x80, s6, s22, $0xb8;
	[tilespmem:$0x1F480] =	vst v63  }
0x92: {  	_ =	swait.ge [sflag:s21], $0x4000  }
0x93: {  	s13 =	smov.u32 s15;
	s17 =	sshra.s32 s7, $0x2;
	[sflag:s21] =	ssyncset.done $0x0  }
0x94: {  	s6 =	sadd.s32 $0x1380, s17;
	[sflag:s21] =	ssyncadd.s32 $0xFFFFC000  }
0x95: {  	[tilespmem:s24], [sflag:$0x2] =	stream.indirect.gather [hbm4b:s4+s22], $0x80, s6, s22, $0xb8;
	[tilespmem:$0x1F480] =	vst v63  }
0x96: {  	_ =	swait.ge [sflag:s19], $0x4000  }
0x97: {  	[sflag:s19] =	ssyncset.done $0x0  }
0x98: {  	s13 =	sadd.s32 $0x3B00, s17;
	[sflag:s19] =	ssyncadd.s32 $0xFFFFC000  }
0x99: {  	[spmem:s2] =	stream.indirect.scatter.add.f32 [tilespmem:s23], [sflag:$0x4], $0x80, s13, s22, $0xb8;
	[tilespmem:$0x1F480] =	vst v63  }
0x9a: {  	_ =	swait.ge [sflag:s21], $0x4000  }
0x9b: {  	[sflag:s21] =	ssyncset.done $0x0  }
0x9c: {  	s15 =	sadd.s32 $0x1400, s17;
	[sflag:s21] =	ssyncadd.s32 $0xFFFFC000  }
0x9d: {  	[tilespmem:s23], [sflag:$0x1] =	stream.indirect.gather [hbm4b:s4+s22], $0x80, s15, s22, $0xb8;
	[tilespmem:$0x1F480] =	vst v63  }
0x9e: {  	_ =	swait.ge [sflag:s26], $0x4000  }
0x9f: {  	[sflag:s26] =	ssyncset.done $0x0  }
0xa0: {  	s17 =	sadd.s32 $0x3B80, s17;
	[sflag:s26] =	ssyncadd.s32 $0xFFFFC000  }
0xa1: {  	[spmem:s2] =	stream.indirect.scatter.add.f32 [tilespmem:s24], [sflag:$0x4], $0x80, s17, s22, $0xb8;
	[tilespmem:$0x1F480] =	vst v63  }
0xa2: {  	_ =	swait.ge [sflag:s21], $0x4000  }
0xa3: {  	[sflag:s21] =	ssyncset.done $0x0  }
0xa4: {  	[sflag:s21] =	ssyncadd.s32 $0xFFFFC000  }
0xa5: {  	[tilespmem:s24], [sflag:$0x2] =	stream.indirect.gather [hbm4b:s4+s22], $0x80, s28, s22, $0xb8;
	[tilespmem:$0x1F480] =	vst v63  }
0xa6: {  	_ =	swait.ge [sflag:s19], $0x4000  }
0xa7: {  	[sflag:s19] =	ssyncset.done $0x0  }
0xa8: {  	[sflag:s19] =	ssyncadd.s32 $0xFFFFC000  }
0xa9: {  	[spmem:s2] =	stream.indirect.scatter.add.f32 [tilespmem:s23], [sflag:$0x4], $0x80, s31, s22, $0xb8;
	[tilespmem:$0x1F480] =	vst v63  }
0xaa: {  	_ =	swait.ge [sflag:s21], $0x4000  }
0xab: {  	[sflag:s21] =	ssyncset.done $0x0  }
0xac: {  	[sflag:s21] =	ssyncadd.s32 $0xFFFFC000  }
0xad: {  	_ =	swait.ge [sflag:s26], $0x4000  }
0xae: {  	[sflag:s26] =	ssyncset.done $0x0  }
0xaf: {  	[sflag:s26] =	ssyncadd.s32 $0xFFFFC000  }
0xb0: {  	[spmem:s2] =	stream.indirect.scatter.add.f32 [tilespmem:s24], [sflag:$0x4], $0x80, s1, s22, $0xb8;
	[tilespmem:$0x1F480] =	vst v63  }
.Ltmp4:
0xb1: {  	_ =	swait.ge [sflag:s21], $0x4000;
	(pc) =	sbr.rel @!p0 .LBB2_6-.Ltmp4, $4  }
0xb2: {  	[sflag:s21] =	ssyncset.done $0x0  }
0xb3: {  	[sflag:s21] =	ssyncadd.s32 $0xFFFFC000  }
0xb4: {  	[bflag:$0x0] =	sbarrier.arrive $0xFFFF  }
0xb5: {  	s13 =	sshrl.u32 s14, $0x3;
	s17 =	sor.u32 $0x1C04, s8  }
0xb6: {  	s17 =	sor.u32 $0x1C04, s8;
	s6 =	rddreg [dreg:$0x6]  }
0xb7: {  	[hbm:s6], [sflag:s17] =	dma.local [spmem:s13], $0x2700  }
.Ltmp5:
0xb8: {  	_ = 	snop;
	(pc) =	sbr.rel @p1 .LBB2_9-.Ltmp5, $4  }
.Ltmp6:
0xb9: {  	_ = 	snop;
	(pc) =	sbr.rel @!p1 .LBB2_8-.Ltmp6, $4  }
0xba: {  	_ =	swait.ge [sflag:s21], $0x2700  }
0xbb: {  	[sflag:s21] =	ssyncset.done $0x0  }
0xbc: {  	s13 =	rddreg [dreg:$0x4];
	[sflag:s21] =	ssyncadd.s32 $0xFFFFD900  }
0xbd: {  	_ = 	snop  }
.LBB2_6:
0xbe: {  	s6 =	rddreg [dreg:$0x5]  }
0xbf: {  	[hbm:s6], [sflag:s17] =	dma.local [spmem:s13], $0x2700  }
.Ltmp7:
0xc0: {  	_ = 	snop;
	(pc) =	sbr.rel @p2 .LBB2_8-.Ltmp7, $4  }
.Ltmp8:
0xc1: {  	_ = 	snop;
	(pc) =	sbr.rel @!p2 .LBB2_9-.Ltmp8, $4  }
0xc2: {  	_ =	swait.ge [sflag:s21], $0x2700  }
0xc3: {  	[sflag:s21] =	ssyncset.done $0x0  }
0xc4: {  	s13 =	rddreg [dreg:$0x3];
	[sflag:s21] =	ssyncadd.s32 $0xFFFFD900  }
0xc5: {  	_ = 	snop  }
.LBB2_10:
0xc6: {  	_ =	sfence.sel $0x180000  }
0xc7: {  	[bflag:$0x0] =	sbarrier.arrive $0xFFFF  }
0xc8: {  	_ =	strace $0x9000004A  }
0xc9: {  	s0 =	stileid.u32;
	[bflag:$0x2] =	sbarrier.arrive $0xFFFF  }
0xca: {  	p0 =	sne.s32 s0, $0x0;
	s0 =	rddreg [dreg:$0x2]  }
0xcb: {  	s0 =	sadd.s32 @!p0 $0x100000, s0  }
0xcc: {  	[sflag:s0] =	ssyncadd.tile.s32 @!p0 $0x1;
	_ =	shalt  }
.Lfunc_end2:
_tile_overlayer_lowered:
.L_overlay_start_2:
0xcd: {  	(tag) =	ssettag $0x2  }
0xce: {  	s0 =	rddreg [dreg:$0x0];
	s2 =	stileid.u32  }
0xcf: {  	s1 =	rddreg [dreg:$0x1];
	p0 =	sne.s32 s2, $0x0  }
0xd0: {  	s3 =	rddreg [dreg:$0x2];
	[bflag:$0x3] =	sbarrier.arrive $0xFFFF;
	s2 =	simm.s32 @!p0 $0x1C04  }
0xd1: {  	[timem:s3], [sflag:s2] =	dma.local @!p0 [hbm:s0], s1  }
0xd2: {  	s0 =	simm.s32 @!p0 $0x4  }
0xd3: {  	_ =	swait.ge @!p0 [sflag:s0], s1  }
0xd4: {  	s1 =	ssub.s32 @!p0 $0x0, s1;
	[sflag:s0] =	ssyncset.done @!p0 $0x0  }
0xd5: {  	[sflag:s0] =	ssyncadd.s32 @!p0 s1  }
0xd6: {  	[bflag:$0x3] =	sbarrier.arrive $0xFFFF  }
0xd7: {  	_ =	shalt  }

// kernel: kernel.14.cloned.1.call-start
scs
__scs_entry_jumppad:
0x0: {  	(pc) =	sbr.rel $0x88, $3  }
0x1: {  	(tag) =	ssettag $0x0;
	lr =	simm.s32 $0x1  }
0x2: {  	[smem:$0x3F98] =	sst lr;
	_ =	strace $0xD0000000  }
0x3: {  	_ = 	snop  }
0x4: {  	_ = 	snop  }
0x5: {  	_ = 	snop  }
0x6: {  	_ = 	snop  }
0x7: {  	_ = 	snop  }
__scs_overlays_trampoline_lowered:
0x8: {  	[smem:$0x3FA7] =	sst s0  }
0x9: {  	[smem:$0x3FA8] =	sst s1  }
0xa: {  	[smem:$0x3FA9] =	sst s2  }
0xb: {  	[smem:$0x3FAA] =	sst s3  }
0xc: {  	[smem:$0x3FAB] =	sst s4  }
0xd: {  	[smem:$0x3FAC] =	sst s5  }
0xe: {  	[smem:$0x3FAD] =	sst s6  }
0xf: {  	[smem:$0x3FAE] =	sst s7  }
0x10: {  	[smem:$0x3FAF] =	sst s8  }
0x11: {  	[smem:$0x3FB0] =	sst s9;
	s0 =	simm.s32 @!p0 $0x0  }
0x12: {  	s1 =	sld [smem:$0x3F96];
	s0 =	simm.s32 @p0 $0x1  }
0x13: {  	[smem:$0x3FB1] =	sst s0;
	s0 =	simm.s32 @!p1 $0x0  }
0x14: {  	s2 =	sld [smem:$0x3F95];
	s0 =	simm.s32 @p1 $0x1  }
0x15: {  	[smem:$0x3FB2] =	sst s0;
	s0 =	simm.s32 @!p2 $0x0  }
0x16: {  	s3 =	sld [smem:$0x3FDB];
	s0 =	simm.s32 @p2 $0x1  }
0x17: {  	s4 =	simm.s32 $0x1BF5;
	[smem:$0x3FB4] =	sst s0  }
0x18: {  	s0 =	sld [smem:$0x3F97];
	_ =	swait.ge [sflag:s4], $0x0  }
0x19: {  	s7 =	sld [smem:$0x3F98]  }
0x1a: {  	s8 =	sadd.s32 $0xFFFFE003, lr  }
0x1b: {  	s9 =	sadd.s32 $0xFFFFFEF7, lr;
	s5 =	simm.s32 $0xFFFFFFFF;
	p2 =	slt.u32 s8, $0xFFFFF086  }
0x1c: {  	p1 =	slt.u32 s9, $0xF7A;
	s5 =	simm.s32 @!p2 $0x0  }
0x1d: {  	s5 =	simm.s32 @p1 $0x1;
	p0 =	seq.s32 s7, s2  }
0x1e: {  	s7 =	smul.u32 @!p0 $0xF7A, s2;
	p2 =	seq.s32 @!p0 s5, $0x0  }
0x1f: {  	s9 =	smul.u32 $0xF7A, s1;
	s8 =	simm.s32 @!p0 $0x1BF5;
	p2 =	por !p2, p0  }
0x20: {  	[sflag:s8] =	ssyncset.s32 @!p0 $0xFFFFF086;
	s6 =	sadd.s32 @!p0 s3, s7;
	s7 =	simm.s32 @!p0 $0x108  }
0x21: {  	s3 =	sadd.s32 s3, s9;
	s6 =	sadd.s32 @!p0 $0x88, s6;
	s7 =	simm.s32 @p2 $0x1082  }
0x22: {  	[simem:s7], [sflag:s8] =	dma.local @!p0 [hbm:s6], $0xF7A  }
0x23: {  	s9 =	sor.u32 $0xD0000000, s2;
	s6 =	simm.s32 $0x108;
	_ =	swait.ge @!p0 [sflag:s8], $0x0  }
0x24: {  	s3 =	sadd.s32 $0x88, s3;
	s6 =	simm.s32 @!p1 $0x1082;
	[sflag:s4] =	ssyncset.s32 $0xFFFFF086  }
0x25: {  	[simem:s6], [sflag:s4] =	dma.local [hbm:s3], $0xF7A  }
0x26: {  	[smem:$0x3F98] =	sst s1;
	(tag) =	ssettag s2;
	_ =	strace s9  }
0x27: {  	s1 =	sld [smem:$0x3FA8]  }
0x28: {  	s2 =	sld [smem:$0x3FA9]  }
0x29: {  	s4 =	sld [smem:$0x3FAB]  }
0x2a: {  	p0 =	seq.s32 s5, $0x0;
	s5 =	sld [smem:$0x3FAC]  }
0x2b: {  	s6 =	sld [smem:$0x3FAD]  }
0x2c: {  	s7 =	sld [smem:$0x3FAE]  }
0x2d: {  	s3 =	simm.s32 $0x108;
	s8 =	sld [smem:$0x3FAF]  }
0x2e: {  	s3 =	simm.s32 @!p0 $0x1082;
	s9 =	sld [smem:$0x3FB0]  }
0x2f: {  	lr =	sadd.s32 s0, s3;
	s0 =	sld [smem:$0x3FA7]  }
0x30: {  	s3 =	sld [smem:$0x3FAA]  }
0x31: {  	[smem:$0x3FB3] =	sst s10  }
0x32: {  	s10 =	sld [smem:$0x3FB1];
	_ =	sdelay $0x3  }
0x33: {  	p0 =	seq.s32 s10, $0x1;
	s10 =	sld [smem:$0x3FB3];
	_ =	sdelay $0x3  }
0x34: {  	[smem:$0x3FB3] =	sst s10  }
0x35: {  	s10 =	sld [smem:$0x3FB2];
	_ =	sdelay $0x3  }
0x36: {  	p1 =	seq.s32 s10, $0x1;
	s10 =	sld [smem:$0x3FB3];
	_ =	sdelay $0x3  }
0x37: {  	[smem:$0x3FB3] =	sst s10  }
0x38: {  	s10 =	sld [smem:$0x3FB4]  }
0x39: {  	_ = 	snop;
	(pc) =	sbr.ind lr, $3  }
0x3a: {  	_ = 	snop  }
0x3b: {  	_ = 	snop  }
0x3c: {  	p2 =	seq.s32 s10, $0x1;
	s10 =	sld [smem:$0x3FB3]  }
0x3d: {  	_ =	shalt  }
0x3e: {  	_ =	shalt  }
0x3f: {  	_ =	shalt  }
0x40: {  	_ =	shalt  }
0x41: {  	_ =	shalt  }
0x42: {  	_ =	shalt  }
0x43: {  	_ =	shalt  }
0x44: {  	_ =	shalt  }
0x45: {  	_ =	shalt  }
0x46: {  	_ =	shalt  }
0x47: {  	_ =	shalt  }
0x48: {  	_ =	shalt  }
0x49: {  	_ =	shalt  }
0x4a: {  	_ =	shalt  }
0x4b: {  	_ =	shalt  }
0x4c: {  	_ =	shalt  }
0x4d: {  	_ =	shalt  }
0x4e: {  	_ =	shalt  }
0x4f: {  	_ =	shalt  }
0x50: {  	_ =	shalt  }
0x51: {  	_ =	shalt  }
0x52: {  	_ =	shalt  }
0x53: {  	_ =	shalt  }
0x54: {  	_ =	shalt  }
0x55: {  	_ =	shalt  }
0x56: {  	_ =	shalt  }
0x57: {  	_ =	shalt  }
0x58: {  	_ =	shalt  }
0x59: {  	_ =	shalt  }
0x5a: {  	_ =	shalt  }
0x5b: {  	_ =	shalt  }
0x5c: {  	_ =	shalt  }
0x5d: {  	_ =	shalt  }
0x5e: {  	_ =	shalt  }
0x5f: {  	_ =	shalt  }
0x60: {  	_ =	shalt  }
0x61: {  	_ =	shalt  }
0x62: {  	_ =	shalt  }
0x63: {  	_ =	shalt  }
0x64: {  	_ =	shalt  }
0x65: {  	_ =	shalt  }
0x66: {  	_ =	shalt  }
0x67: {  	_ =	shalt  }
0x68: {  	_ =	shalt  }
0x69: {  	_ =	shalt  }
0x6a: {  	_ =	shalt  }
0x6b: {  	_ =	shalt  }
0x6c: {  	_ =	shalt  }
0x6d: {  	_ =	shalt  }
0x6e: {  	_ =	shalt  }
0x6f: {  	_ =	shalt  }
0x70: {  	_ =	shalt  }
0x71: {  	_ =	shalt  }
0x72: {  	_ =	shalt  }
0x73: {  	_ =	shalt  }
0x74: {  	_ =	shalt  }
0x75: {  	_ =	shalt  }
0x76: {  	_ =	shalt  }
0x77: {  	_ =	shalt  }
0x78: {  	_ =	shalt  }
0x79: {  	_ =	shalt  }
0x7a: {  	_ =	shalt  }
0x7b: {  	_ =	shalt  }
0x7c: {  	_ =	shalt  }
0x7d: {  	_ =	shalt  }
0x7e: {  	_ =	shalt  }
0x7f: {  	_ =	shalt  }
0x80: {  	_ =	shalt  }
0x81: {  	_ =	shalt  }
0x82: {  	_ =	shalt  }
0x83: {  	_ =	shalt  }
0x84: {  	_ =	shalt  }
0x85: {  	_ =	shalt  }
0x86: {  	_ =	shalt  }
0x87: {  	_ =	shalt  }
.Lfunc_end0:
.L_simem_size_0:
called_computation.2_lowered:
.L_overlay_start_0:
0x88: {  	s2 =	sld [smem:$0x3FD9]  }
0x89: {  	s3 =	sld [smem:$0x3FFE];
	_ =	sdelay $0x1  }
0x8a: {  	s1 =	srdreg.scid  }
0x8b: {  	s0 =	sand.u32 $0x1, s1  }
0x8c: {  	s16 =	sshll.u32 s0, $0xA;
	s2 =	sadd.s32 s3, s2  }
0x8d: {  	s2 =	sadd.s32 s2, s16  }
0x8e: {  	[smem:$0x3FBF] =	sst s2  }
0x8f: {  	_ = 	snop  }
0x90: {  	(tm) =	ssettm $0x1  }
0x91: {  	s17 =	sld [smem:$0x3FFB];
	_ =	sdelay $0x3  }
0x92: {  	_ =	strace s17  }
0x93: {  	s2 =	sld [smem:$0x3FFC];
	_ =	sdelay $0x3  }
0x94: {  	_ =	strace s2  }
0x95: {  	s2 =	sld [smem:$0x3FFD];
	_ =	sdelay $0x3  }
0x96: {  	_ =	strace s2  }
0x97: {  	_ =	strace $0x8FFFFFFF  }
0x98: {  	s18 =	sld [smem:$0x3FDB];
	_ =	sdelay $0x1  }
0x99: {  	s19 =	simm.s32 $_scs_section_size  }
0x9a: {  	s4 =	simm.s32 $_size__tile_overlayer_lowered;
	s5 =	simm.s32 $_tile_overlayer_lowered  }
0x9b: {  	s22 =	simm.s32 $0x1BFF;
	s21 =	sshll.u32 s5, $0x1;
	s2 =	sadd.s32 s19, s18  }
0x9c: {  	s6 =	simm.s32 $0x0;
	s20 =	sshll.u32 s4, $0x1;
	s4 =	sadd.s32 s21, s2  }
0x9d: {  	[timem:s6], [sflag:s22] =	dma.local [hbm:s4], s20  }
0x9e: {  	_ =	swait.ge [sflag:s22], s20  }
0x9f: {  	s3 =	ssub.s32 $0x0, s20;
	[sflag:s22] =	ssyncset.done $0x0  }
0xa0: {  	[sflag:s22] =	ssyncadd.s32 s3;
	_ =	sdelay $0x1  }
0xa1: {  	s23 =	simm.s32 $0x1B8B  }
0xa2: {  	_ =	swait.ge [sflag:s23], $0x1  }
0xa3: {  	[sflag:s23] =	ssyncset.done $0x0  }
0xa4: {  	s25 =	simm.s32 $0x1B8E;
	s24 =	sld [smem:$0x3FFE];
	[sflag:s23] =	ssyncadd.s32 $0xFFFFFFFF  }
0xa5: {  	s26 =	simm.s32 $execute0_lowered;
	[smem:$0x3FD2] =	sst s25  }
0xa6: {  	s4 =	sshll.u32 s26, $0x1;
	_ =	strace $0x8000004C;
	[dreg:$0x1] =	wrdreg $0xFFFFFFFF  }
0xa7: {  	s28 =	simm.s32 $_size_execute0_lowered;
	s2 =	sadd.s32 s2, s4;
	[dreg:$0x0] =	wrdreg $0x0  }
0xa8: {  	s4 =	sshll.u32 s28, $0x1;
	[dreg:$0x2] =	wrdreg s2  }
0xa9: {  	[dreg:$0x3] =	wrdreg s4  }
0xaa: {  	[dreg:$0x4] =	wrdreg $0xC0  }
0xab: {  	_ =	task [dreg:s6], $0x5FFFF  }
0xac: {  	[dreg:$0x1] =	wrdreg $0xFFFFFFFF  }
0xad: {  	[dreg:$0x0] =	wrdreg $0x60  }
0xae: {  	[dreg:$0x2] =	wrdreg s24  }
0xaf: {  	[dreg:$0x3] =	wrdreg $0xBC000  }
0xb0: {  	[dreg:$0x4] =	wrdreg $0x9  }
0xb1: {  	_ =	task.clear_ibuf [dreg:s6], $0x5FFFF;
	_ =	strace $0x9000004C  }
0xb2: {  	s29 =	simm.s32 $0x9;
	_ =	strace $0x8000004E  }
0xb3: {  	_ =	swait.ge [sflag:s29], $0x1  }
0xb4: {  	[sflag:s29] =	ssyncadd.s32 $0xFFFFFFFF  }
0xb5: {  	_ =	strace $0x9000004E  }
0xb6: {  	_ =	sfence  }
0xb7: {  	s30 =	sld [smem:$0x0];
	_ =	sdelay $0x2  }
0xb8: {  	s31 =	sshll.u32 s1, $0xD;
	s1 =	sshrl.u32 s1, $0x2  }
0xb9: {  	s3 =	sand.u32 $0x4000, s31;
	s1 =	sadd.s32 s1, s30  }
0xba: {  	s0 =	sor.u32 s3, s0;
	s1 =	sshll.u32 s1, $0x11  }
0xbb: {  	s0 =	sor.u32 s1, s0  }
0xbc: {  	s0 =	sadd.s32 $0x8F2B, s0  }
0xbd: {  	[sflag:s0] =	ssyncadd.remote.s32 $0x1  }
0xbe: {  	_ =	sfence.sel $0xFFFF  }
0xbf: {  	[dreg:$0x0] =	wrdreg $0xFFFFFFFF;
	(pc) =	sbr.abs _section_cstart, $3  }
0xc0: {  	[dreg:$0x1] =	wrdreg $0xFFFFFFFF  }
0xc1: {  	_ =	task.clear_ibuf [dreg:s6], $0x2FFFF;
	_ =	strace $0x9FFFFFFF  }
0xc2: {  	(tm) =	ssettm $0x7FFFFFFF  }
0xc3: {  	_ =	shalt  }
tec
execute0_lowered:
.L_overlay_start_1:
0x0: {  	(tag) =	ssettag $0x1  }
0x1: {  	s0 =	srdreg.scid;
	s1 =	rddreg [dreg:$0x0]  }
0x2: {  	s6 =	stileid.u32;
	s2 =	rddreg [dreg:$0x1]  }
0x3: {  	s19 =	simm.s32 $0x1;
	s20 =	simm.s32 $0x3;
	s21 =	simm.s32 $0x4  }
0x4: {  	s22 =	simm.s32 $0x80;
	s28 =	simm.s32 $0x1380;
	s29 =	simm.s32 $0x2700  }
0x5: {  	s30 =	simm.s32 $0x2780;
	s31 =	simm.s32 $0x3B00;
	s0 =	sand.u32 $0x1, s0  }
0x6: {  	s5 =	sadd.s32 $0x66800, s1;
	s10 =	smul.u32 $0x4E200, s6;
	s7 =	sadd.s32 $0x69000, s1  }
0x7: {  	s16 =	sadd.s32 $0x90200, s1;
	s13 =	smul.u32 $0x13800, s6;
	s25 =	sadd.s32 $0x138000, s2  }
0x8: {  	p1 =	sne.s32 s6, $0xF;
	p2 =	seq.s32 s6, $0xF;
	s3 =	sshll.u32 s0, $0x4  }
0x9: {  	s8 =	ssub.s32 $0x2, s0;
	p0 =	seq.s32 s0, $0x1;
	s25 =	sshrl.u32 s25, $0x3  }
0xa: {  	s0 =	simm.s32 $0x0;
	s4 =	sor.u32 s6, s3;
	s3 =	simm.s32 $0x0  }
0xb: {  	s9 =	sshrl.u32 s8, $0x1;
	s10 =	sshrl.u32 s10, $0x2;
	s15 =	sshrl.u32 s13, $0x3  }
0xc: {  	s14 =	sadd.s32 s13, s2;
	s4 =	smul.u32 $0x2800, s4;
	[smem:$0x7FF] =	sst s3  }
0xd: {  	s24 =	sadd.s32 s7, s15;
	_ =	strace $0x8000004D;
	[dreg:$0x3] =	wrdreg s7  }
0xe: {  	s23 =	ssub.s32 s8, s9;
	s8 =	sshll.u32 s6, $0x6;
	[dreg:$0x5] =	wrdreg s24  }
0xf: {  	s17 =	sadd.s32 s10, s2;
	s26 =	sadd.s32 s16, s15;
	[dreg:$0x4] =	wrdreg s16  }
.Ltmp0:
0x10: {  	s10 =	sor.u32 $0x1C03, s8;
	[dreg:$0x6] =	wrdreg s26;
	(pc) =	sbr.rel .LBB2_1-.Ltmp0, $4  }
0x11: {  	s16 =	smax.u32 s23, $0x1;
	s18 =	sshrl.u32 s17, $0x3;
	s23 =	simm.s32 $0x3C00  }
0x12: {  	s24 =	simm.s32 $0x7C00;
	s26 =	simm.s32 $0x2;
	s4 =	sshrl.u32 s4, $0x3  }
0x13: {  	s12 =	sadd.s32 s4, s1;
	s4 =	sadd.s32 $0x18400, s1;
	s1 =	simm.s32 $0x3B80  }
0x14: {  	s9 =	sadd.s32 $0xE400, s12;
	s11 =	sadd.s32 $0x4400, s12;
	s12 =	sadd.s32 $0x4680, s12  }
.LBB2_8:
0x15: {  	s6 =	sadd.s32 $0x27000, s13  }
0x16: {  	[hbm:s6], [sflag:s17] =	dma.local [spmem:s25], $0x100  }
0x17: {  	_ =	swait.ge [sflag:s21], $0x100  }
0x18: {  	[sflag:s21] =	ssyncset.done $0x0  }
0x19: {  	[sflag:s21] =	ssyncadd.s32 $0xFFFFFF00  }
.LBB2_9:
0x1a: {  	s0 =	sadd.s32 $0x1, s0  }
0x1b: {  	p3 =	sne.s32 s0, s16  }
.Ltmp1:
0x1c: {  	_ = 	snop;
	(pc) =	sbr.rel @!p3 .LBB2_10-.Ltmp1, $1  }
0x1d: {  	_ =	sdelay $0x3  }
.LBB2_1:
0x1e: {  	s6 =	simm.s32 $0x1400  }
0x1f: {  	[tilespmem:s6], [sflag:$0x1] =	stream.linear.gather [hbm4b:s9+s3], $0x2800, $0x38;
	[tilespmem:$0x1F480] =	vst v63  }
0x20: {  	[spmem:s18], [sflag:s10] =	dma.local [hbm:s5], $0x2710  }
0x21: {  	_ =	swait.ge [sflag:s19], $0x2800  }
0x22: {  	[sflag:s19] =	ssyncset.done $0x0  }
0x23: {  	[sflag:s19] =	ssyncadd.s32 $0xFFFFD800  }
0x24: {  	_ =	swait.ge [sflag:s20], $0x2710  }
0x25: {  	[sflag:s20] =	ssyncset.done $0x0  }
0x26: {  	[sflag:s20] =	ssyncadd.s32 $0xFFFFD8F0  }
0x27: {  	[bflag:$0x0] =	sbarrier.arrive $0xFFFF  }
0x28: {  	[tilespmem:s3], [sflag:$0x4] =	stream.linear.gather [hbm4b:s11+s3], $0x1400, $0x38;
	[tilespmem:$0x1F480] =	vst v63  }
0x29: {  	_ =	swait.ge [sflag:s21], $0x1400  }
0x2a: {  	[sflag:s21] =	ssyncset.done $0x0  }
0x2b: {  	[sflag:s21] =	ssyncadd.s32 $0xFFFFEC00  }
0x2c: {  	[tilespmem:s23], [sflag:$0x1] =	stream.indirect.gather [hbm4b:s4+s22], $0x80, s3, s22, $0xb8;
	[tilespmem:$0x1F480] =	vst v63  }
0x2d: {  	s13 =	simm.s32 $0x80  }
0x2e: {  	[tilespmem:s24], [sflag:$0x2] =	stream.indirect.gather [hbm4b:s4+s22], $0x80, s13, s22, $0xb8;
	[tilespmem:$0x1F480] =	vst v63  }
0x2f: {  	_ =	swait.ge [sflag:s19], $0x4000  }
0x30: {  	[sflag:s19] =	ssyncset.done $0x0  }
0x31: {  	s7 =	simm.s32 $0x1400;
	[sflag:s19] =	ssyncadd.s32 $0xFFFFC000  }
0x32: {  	[spmem:s2] =	stream.indirect.scatter.add.f32 [tilespmem:s23], [sflag:$0x4], $0x80, s7, s22, $0xb8;
	[tilespmem:$0x1F480] =	vst v63  }
0x33: {  	_ =	swait.ge [sflag:s21], $0x4000  }
0x34: {  	[sflag:s21] =	ssyncset.done $0x0  }
0x35: {  	s15 =	simm.s32 $0x100;
	[sflag:s21] =	ssyncadd.s32 $0xFFFFC000  }
0x36: {  	[tilespmem:s23], [sflag:$0x1] =	stream.indirect.gather [hbm4b:s4+s22], $0x80, s15, s22, $0xb8;
	[tilespmem:$0x1F480] =	vst v63  }
0x37: {  	_ =	swait.ge [sflag:s26], $0x4000  }
0x38: {  	[sflag:s26] =	ssyncset.done $0x0  }
0x39: {  	s17 =	simm.s32 $0x1480;
	[sflag:s26] =	ssyncadd.s32 $0xFFFFC000  }
0x3a: {  	[spmem:s2] =	stream.indirect.scatter.add.f32 [tilespmem:s24], [sflag:$0x4], $0x80, s17, s22, $0xb8;
	[tilespmem:$0x1F480] =	vst v63  }
0x3b: {  	_ =	swait.ge [sflag:s21], $0x4000  }
0x3c: {  	s13 =	simm.s32 $0x800;
	s17 =	simm.s32 $0x100;
	[sflag:s21] =	ssyncset.done $0x0  }
.LBB2_2:
0x3d: {  	s15 =	sadd.s32 $0x80, s17  }
0x3e: {  	[sflag:s21] =	ssyncadd.s32 $0xFFFFC000;
	s6 =	smov.u32 s13;
	s7 =	sadd.s32 $0x400, s13  }
0x3f: {  	[tilespmem:s24], [sflag:$0x2] =	stream.indirect.gather [hbm4b:s4+s22], $0x80, s15, s22, $0xb8;
	[tilespmem:$0x1F480] =	vst v63  }
0x40: {  	p3 =	sne.s32 s13, $0x4800;
	_ =	swait.ge [sflag:s19], $0x4000  }
0x41: {  	[sflag:s19] =	ssyncset.done $0x0  }
0x42: {  	s13 =	sadd.s32 $0x1400, s17;
	[sflag:s19] =	ssyncadd.s32 $0xFFFFC000  }
0x43: {  	[spmem:s2] =	stream.indirect.scatter.add.f32 [tilespmem:s23], [sflag:$0x4], $0x80, s13, s22, $0xb8;
	[tilespmem:$0x1F480] =	vst v63  }
0x44: {  	_ =	swait.ge [sflag:s21], $0x4000  }
0x45: {  	[sflag:s21] =	ssyncset.done $0x0  }
0x46: {  	s13 =	sadd.s32 $0x100, s17;
	[sflag:s21] =	ssyncadd.s32 $0xFFFFC000  }
0x47: {  	[tilespmem:s23], [sflag:$0x1] =	stream.indirect.gather [hbm4b:s4+s22], $0x80, s13, s22, $0xb8;
	[tilespmem:$0x1F480] =	vst v63  }
0x48: {  	_ =	swait.ge [sflag:s26], $0x4000  }
.Ltmp2:
0x49: {  	[sflag:s26] =	ssyncset.done $0x0;
	(pc) =	sbr.rel @p3 .LBB2_2-.Ltmp2, $4  }
0x4a: {  	s13 =	sadd.s32 $0x1480, s17;
	[sflag:s26] =	ssyncadd.s32 $0xFFFFC000  }
0x4b: {  	[spmem:s2] =	stream.indirect.scatter.add.f32 [tilespmem:s24], [sflag:$0x4], $0x80, s13, s22, $0xb8;
	[tilespmem:$0x1F480] =	vst v63  }
0x4c: {  	_ =	swait.ge [sflag:s21], $0x4000  }
0x4d: {  	s17 =	sshra.s32 s6, $0x2;
	s13 =	smov.u32 s7;
	[sflag:s21] =	ssyncset.done $0x0  }
0x4e: {  	s6 =	sadd.s32 $0x80, s17;
	[sflag:s21] =	ssyncadd.s32 $0xFFFFC000  }
0x4f: {  	[tilespmem:s24], [sflag:$0x2] =	stream.indirect.gather [hbm4b:s4+s22], $0x80, s6, s22, $0xb8;
	[tilespmem:$0x1F480] =	vst v63  }
0x50: {  	_ =	swait.ge [sflag:s19], $0x4000  }
0x51: {  	[sflag:s19] =	ssyncset.done $0x0  }
0x52: {  	s13 =	sadd.s32 $0x1400, s17;
	[sflag:s19] =	ssyncadd.s32 $0xFFFFC000  }
0x53: {  	[spmem:s2] =	stream.indirect.scatter.add.f32 [tilespmem:s23], [sflag:$0x4], $0x80, s13, s22, $0xb8;
	[tilespmem:$0x1F480] =	vst v63  }
0x54: {  	_ =	swait.ge [sflag:s21], $0x4000  }
0x55: {  	[sflag:s21] =	ssyncset.done $0x0  }
0x56: {  	s15 =	sadd.s32 $0x100, s17;
	[sflag:s21] =	ssyncadd.s32 $0xFFFFC000  }
0x57: {  	[tilespmem:s23], [sflag:$0x1] =	stream.indirect.gather [hbm4b:s4+s22], $0x80, s15, s22, $0xb8;
	[tilespmem:$0x1F480] =	vst v63  }
0x58: {  	_ =	swait.ge [sflag:s26], $0x4000  }
0x59: {  	[sflag:s26] =	ssyncset.done $0x0  }
0x5a: {  	s17 =	sadd.s32 $0x1480, s17;
	[sflag:s26] =	ssyncadd.s32 $0xFFFFC000  }
0x5b: {  	[spmem:s2] =	stream.indirect.scatter.add.f32 [tilespmem:s24], [sflag:$0x4], $0x80, s17, s22, $0xb8;
	[tilespmem:$0x1F480] =	vst v63  }
0x5c: {  	_ =	swait.ge [sflag:s21], $0x4000  }
0x5d: {  	[sflag:s21] =	ssyncset.done $0x0  }
0x5e: {  	[sflag:s21] =	ssyncadd.s32 $0xFFFFC000  }
0x5f: {  	[tilespmem:s24], [sflag:$0x2] =	stream.indirect.gather [hbm4b:s4+s22], $0x80, s28, s22, $0xb8;
	[tilespmem:$0x1F480] =	vst v63  }
0x60: {  	_ =	swait.ge [sflag:s19], $0x4000  }
0x61: {  	[sflag:s19] =	ssyncset.done $0x0  }
0x62: {  	[sflag:s19] =	ssyncadd.s32 $0xFFFFC000  }
0x63: {  	[spmem:s2] =	stream.indirect.scatter.add.f32 [tilespmem:s23], [sflag:$0x4], $0x80, s29, s22, $0xb8;
	[tilespmem:$0x1F480] =	vst v63  }
0x64: {  	_ =	swait.ge [sflag:s21], $0x4000  }
0x65: {  	[sflag:s21] =	ssyncset.done $0x0  }
0x66: {  	[sflag:s21] =	ssyncadd.s32 $0xFFFFC000  }
0x67: {  	_ =	swait.ge [sflag:s26], $0x4000  }
0x68: {  	[sflag:s26] =	ssyncset.done $0x0  }
0x69: {  	[sflag:s26] =	ssyncadd.s32 $0xFFFFC000  }
0x6a: {  	[spmem:s2] =	stream.indirect.scatter.add.f32 [tilespmem:s24], [sflag:$0x4], $0x80, s30, s22, $0xb8;
	[tilespmem:$0x1F480] =	vst v63  }
0x6b: {  	_ =	swait.ge [sflag:s21], $0x4000  }
0x6c: {  	[sflag:s21] =	ssyncset.done $0x0  }
0x6d: {  	[sflag:s21] =	ssyncadd.s32 $0xFFFFC000  }
0x6e: {  	[tilespmem:s3], [sflag:$0x4] =	stream.linear.gather [hbm4b:s12+s3], $0x1400, $0x38;
	[tilespmem:$0x1F480] =	vst v63  }
0x6f: {  	_ =	swait.ge [sflag:s21], $0x1400  }
0x70: {  	[sflag:s21] =	ssyncset.done $0x0  }
0x71: {  	[sflag:s21] =	ssyncadd.s32 $0xFFFFEC00  }
0x72: {  	[tilespmem:s23], [sflag:$0x1] =	stream.indirect.gather [hbm4b:s4+s22], $0x80, s3, s22, $0xb8;
	[tilespmem:$0x1F480] =	vst v63  }
0x73: {  	s7 =	simm.s32 $0x80  }
0x74: {  	[tilespmem:s24], [sflag:$0x2] =	stream.indirect.gather [hbm4b:s4+s22], $0x80, s7, s22, $0xb8;
	[tilespmem:$0x1F480] =	vst v63  }
0x75: {  	_ =	swait.ge [sflag:s19], $0x4000  }
0x76: {  	[sflag:s19] =	ssyncset.done $0x0  }
0x77: {  	s13 =	simm.s32 $0x2800;
	[sflag:s19] =	ssyncadd.s32 $0xFFFFC000  }
0x78: {  	[spmem:s2] =	stream.indirect.scatter.add.f32 [tilespmem:s23], [sflag:$0x4], $0x80, s13, s22, $0xb8;
	[tilespmem:$0x1F480] =	vst v63  }
0x79: {  	_ =	swait.ge [sflag:s21], $0x4000  }
0x7a: {  	[sflag:s21] =	ssyncset.done $0x0  }
0x7b: {  	s15 =	simm.s32 $0x100;
	[sflag:s21] =	ssyncadd.s32 $0xFFFFC000  }
0x7c: {  	[tilespmem:s23], [sflag:$0x1] =	stream.indirect.gather [hbm4b:s4+s22], $0x80, s15, s22, $0xb8;
	[tilespmem:$0x1F480] =	vst v63  }
0x7d: {  	_ =	swait.ge [sflag:s26], $0x4000  }
0x7e: {  	[sflag:s26] =	ssyncset.done $0x0  }
0x7f: {  	s17 =	simm.s32 $0x2880;
	[sflag:s26] =	ssyncadd.s32 $0xFFFFC000  }
0x80: {  	[spmem:s2] =	stream.indirect.scatter.add.f32 [tilespmem:s24], [sflag:$0x4], $0x80, s17, s22, $0xb8;
	[tilespmem:$0x1F480] =	vst v63  }
0x81: {  	_ =	swait.ge [sflag:s21], $0x4000  }
0x82: {  	s13 =	simm.s32 $0xFFFFBC00;
	s17 =	simm.s32 $0xFFFFEE00;
	[sflag:s21] =	ssyncset.done $0x0  }
.LBB2_4:
0x83: {  	s6 =	sadd.s32 $0x1380, s17  }
0x84: {  	[sflag:s21] =	ssyncadd.s32 $0xFFFFC000;
	s7 =	smov.u32 s13;
	s15 =	sadd.s32 $0x400, s13  }
0x85: {  	[tilespmem:s24], [sflag:$0x2] =	stream.indirect.gather [hbm4b:s4+s22], $0x80, s6, s22, $0xb8;
	[tilespmem:$0x1F480] =	vst v63  }
0x86: {  	p3 =	sne.s32 s13, $0xFFFFFC00;
	_ =	swait.ge [sflag:s19], $0x4000  }
0x87: {  	[sflag:s19] =	ssyncset.done $0x0  }
0x88: {  	s6 =	sadd.s32 $0x3B00, s17;
	[sflag:s19] =	ssyncadd.s32 $0xFFFFC000  }
0x89: {  	[spmem:s2] =	stream.indirect.scatter.add.f32 [tilespmem:s23], [sflag:$0x4], $0x80, s6, s22, $0xb8;
	[tilespmem:$0x1F480] =	vst v63  }
0x8a: {  	_ =	swait.ge [sflag:s21], $0x4000  }
0x8b: {  	[sflag:s21] =	ssyncset.done $0x0  }
0x8c: {  	s6 =	sadd.s32 $0x1400, s17;
	[sflag:s21] =	ssyncadd.s32 $0xFFFFC000  }
0x8d: {  	[tilespmem:s23], [sflag:$0x1] =	stream.indirect.gather [hbm4b:s4+s22], $0x80, s6, s22, $0xb8;
	[tilespmem:$0x1F480] =	vst v63  }
0x8e: {  	_ =	swait.ge [sflag:s26], $0x4000  }
.Ltmp3:
0x8f: {  	[sflag:s26] =	ssyncset.done $0x0;
	(pc) =	sbr.rel @p3 .LBB2_4-.Ltmp3, $4  }
0x90: {  	s6 =	sadd.s32 $0x3B80, s17;
	[sflag:s26] =	ssyncadd.s32 $0xFFFFC000  }
0x91: {  	[spmem:s2] =	stream.indirect.scatter.add.f32 [tilespmem:s24], [sflag:$0x4], $0x80, s6, s22, $0xb8;
	[tilespmem:$0x1F480] =	vst v63  }
0x92: {  	_ =	swait.ge [sflag:s21], $0x4000  }
0x93: {  	s13 =	smov.u32 s15;
	s17 =	sshra.s32 s7, $0x2;
	[sflag:s21] =	ssyncset.done $0x0  }
0x94: {  	s6 =	sadd.s32 $0x1380, s17;
	[sflag:s21] =	ssyncadd.s32 $0xFFFFC000  }
0x95: {  	[tilespmem:s24], [sflag:$0x2] =	stream.indirect.gather [hbm4b:s4+s22], $0x80, s6, s22, $0xb8;
	[tilespmem:$0x1F480] =	vst v63  }
0x96: {  	_ =	swait.ge [sflag:s19], $0x4000  }
0x97: {  	[sflag:s19] =	ssyncset.done $0x0  }
0x98: {  	s13 =	sadd.s32 $0x3B00, s17;
	[sflag:s19] =	ssyncadd.s32 $0xFFFFC000  }
0x99: {  	[spmem:s2] =	stream.indirect.scatter.add.f32 [tilespmem:s23], [sflag:$0x4], $0x80, s13, s22, $0xb8;
	[tilespmem:$0x1F480] =	vst v63  }
0x9a: {  	_ =	swait.ge [sflag:s21], $0x4000  }
0x9b: {  	[sflag:s21] =	ssyncset.done $0x0  }
0x9c: {  	s15 =	sadd.s32 $0x1400, s17;
	[sflag:s21] =	ssyncadd.s32 $0xFFFFC000  }
0x9d: {  	[tilespmem:s23], [sflag:$0x1] =	stream.indirect.gather [hbm4b:s4+s22], $0x80, s15, s22, $0xb8;
	[tilespmem:$0x1F480] =	vst v63  }
0x9e: {  	_ =	swait.ge [sflag:s26], $0x4000  }
0x9f: {  	[sflag:s26] =	ssyncset.done $0x0  }
0xa0: {  	s17 =	sadd.s32 $0x3B80, s17;
	[sflag:s26] =	ssyncadd.s32 $0xFFFFC000  }
0xa1: {  	[spmem:s2] =	stream.indirect.scatter.add.f32 [tilespmem:s24], [sflag:$0x4], $0x80, s17, s22, $0xb8;
	[tilespmem:$0x1F480] =	vst v63  }
0xa2: {  	_ =	swait.ge [sflag:s21], $0x4000  }
0xa3: {  	[sflag:s21] =	ssyncset.done $0x0  }
0xa4: {  	[sflag:s21] =	ssyncadd.s32 $0xFFFFC000  }
0xa5: {  	[tilespmem:s24], [sflag:$0x2] =	stream.indirect.gather [hbm4b:s4+s22], $0x80, s28, s22, $0xb8;
	[tilespmem:$0x1F480] =	vst v63  }
0xa6: {  	_ =	swait.ge [sflag:s19], $0x4000  }
0xa7: {  	[sflag:s19] =	ssyncset.done $0x0  }
0xa8: {  	[sflag:s19] =	ssyncadd.s32 $0xFFFFC000  }
0xa9: {  	[spmem:s2] =	stream.indirect.scatter.add.f32 [tilespmem:s23], [sflag:$0x4], $0x80, s31, s22, $0xb8;
	[tilespmem:$0x1F480] =	vst v63  }
0xaa: {  	_ =	swait.ge [sflag:s21], $0x4000  }
0xab: {  	[sflag:s21] =	ssyncset.done $0x0  }
0xac: {  	[sflag:s21] =	ssyncadd.s32 $0xFFFFC000  }
0xad: {  	_ =	swait.ge [sflag:s26], $0x4000  }
0xae: {  	[sflag:s26] =	ssyncset.done $0x0  }
0xaf: {  	[sflag:s26] =	ssyncadd.s32 $0xFFFFC000  }
0xb0: {  	[spmem:s2] =	stream.indirect.scatter.add.f32 [tilespmem:s24], [sflag:$0x4], $0x80, s1, s22, $0xb8;
	[tilespmem:$0x1F480] =	vst v63  }
.Ltmp4:
0xb1: {  	_ =	swait.ge [sflag:s21], $0x4000;
	(pc) =	sbr.rel @!p0 .LBB2_6-.Ltmp4, $4  }
0xb2: {  	[sflag:s21] =	ssyncset.done $0x0  }
0xb3: {  	[sflag:s21] =	ssyncadd.s32 $0xFFFFC000  }
0xb4: {  	[bflag:$0x0] =	sbarrier.arrive $0xFFFF  }
0xb5: {  	s13 =	sshrl.u32 s14, $0x3;
	s17 =	sor.u32 $0x1C04, s8  }
0xb6: {  	s17 =	sor.u32 $0x1C04, s8;
	s6 =	rddreg [dreg:$0x6]  }
0xb7: {  	[hbm:s6], [sflag:s17] =	dma.local [spmem:s13], $0x2700  }
.Ltmp5:
0xb8: {  	_ = 	snop;
	(pc) =	sbr.rel @p1 .LBB2_9-.Ltmp5, $4  }
.Ltmp6:
0xb9: {  	_ = 	snop;
	(pc) =	sbr.rel @!p1 .LBB2_8-.Ltmp6, $4  }
0xba: {  	_ =	swait.ge [sflag:s21], $0x2700  }
0xbb: {  	[sflag:s21] =	ssyncset.done $0x0  }
0xbc: {  	s13 =	rddreg [dreg:$0x4];
	[sflag:s21] =	ssyncadd.s32 $0xFFFFD900  }
0xbd: {  	_ = 	snop  }
.LBB2_6:
0xbe: {  	s6 =	rddreg [dreg:$0x5]  }
0xbf: {  	[hbm:s6], [sflag:s17] =	dma.local [spmem:s13], $0x2700  }
.Ltmp7:
0xc0: {  	_ = 	snop;
	(pc) =	sbr.rel @p2 .LBB2_8-.Ltmp7, $4  }
.Ltmp8:
0xc1: {  	_ = 	snop;
	(pc) =	sbr.rel @!p2 .LBB2_9-.Ltmp8, $4  }
0xc2: {  	_ =	swait.ge [sflag:s21], $0x2700  }
0xc3: {  	[sflag:s21] =	ssyncset.done $0x0  }
0xc4: {  	s13 =	rddreg [dreg:$0x3];
	[sflag:s21] =	ssyncadd.s32 $0xFFFFD900  }
0xc5: {  	_ = 	snop  }
.LBB2_10:
0xc6: {  	_ =	sfence.sel $0x180000  }
0xc7: {  	[bflag:$0x0] =	sbarrier.arrive $0xFFFF  }
0xc8: {  	_ =	strace $0x9000004D  }
0xc9: {  	s0 =	stileid.u32;
	[bflag:$0x2] =	sbarrier.arrive $0xFFFF  }
0xca: {  	p0 =	sne.s32 s0, $0x0;
	s0 =	rddreg [dreg:$0x2]  }
0xcb: {  	s0 =	sadd.s32 @!p0 $0x100000, s0  }
0xcc: {  	[sflag:s0] =	ssyncadd.tile.s32 @!p0 $0x1;
	_ =	shalt  }
.Lfunc_end2:
_tile_overlayer_lowered:
.L_overlay_start_2:
0xcd: {  	(tag) =	ssettag $0x2  }
0xce: {  	s0 =	rddreg [dreg:$0x0];
	s2 =	stileid.u32  }
0xcf: {  	s1 =	rddreg [dreg:$0x1];
	p0 =	sne.s32 s2, $0x0  }
0xd0: {  	s3 =	rddreg [dreg:$0x2];
	[bflag:$0x3] =	sbarrier.arrive $0xFFFF;
	s2 =	simm.s32 @!p0 $0x1C04  }
0xd1: {  	[timem:s3], [sflag:s2] =	dma.local @!p0 [hbm:s0], s1  }
0xd2: {  	s0 =	simm.s32 @!p0 $0x4  }
0xd3: {  	_ =	swait.ge @!p0 [sflag:s0], s1  }
0xd4: {  	s1 =	ssub.s32 @!p0 $0x0, s1;
	[sflag:s0] =	ssyncset.done @!p0 $0x0  }
0xd5: {  	[sflag:s0] =	ssyncadd.s32 @!p0 s1  }
0xd6: {  	[bflag:$0x3] =	sbarrier.arrive $0xFFFF  }
0xd7: {  	_ =	shalt  }

// kernel: kernel.8.cloned.1.call-start
scs
__scs_entry_jumppad:
0x0: {  	(pc) =	sbr.rel $0x88, $3  }
0x1: {  	(tag) =	ssettag $0x0;
	lr =	simm.s32 $0x1  }
0x2: {  	[smem:$0x3F98] =	sst lr;
	_ =	strace $0xD0000000  }
0x3: {  	_ = 	snop  }
0x4: {  	_ = 	snop  }
0x5: {  	_ = 	snop  }
0x6: {  	_ = 	snop  }
0x7: {  	_ = 	snop  }
__scs_overlays_trampoline_lowered:
0x8: {  	[smem:$0x3FA7] =	sst s0  }
0x9: {  	[smem:$0x3FA8] =	sst s1  }
0xa: {  	[smem:$0x3FA9] =	sst s2  }
0xb: {  	[smem:$0x3FAA] =	sst s3  }
0xc: {  	[smem:$0x3FAB] =	sst s4  }
0xd: {  	[smem:$0x3FAC] =	sst s5  }
0xe: {  	[smem:$0x3FAD] =	sst s6  }
0xf: {  	[smem:$0x3FAE] =	sst s7  }
0x10: {  	[smem:$0x3FAF] =	sst s8  }
0x11: {  	[smem:$0x3FB0] =	sst s9;
	s0 =	simm.s32 @!p0 $0x0  }
0x12: {  	s1 =	sld [smem:$0x3F96];
	s0 =	simm.s32 @p0 $0x1  }
0x13: {  	[smem:$0x3FB1] =	sst s0;
	s0 =	simm.s32 @!p1 $0x0  }
0x14: {  	s2 =	sld [smem:$0x3F95];
	s0 =	simm.s32 @p1 $0x1  }
0x15: {  	[smem:$0x3FB2] =	sst s0;
	s0 =	simm.s32 @!p2 $0x0  }
0x16: {  	s3 =	sld [smem:$0x3FDB];
	s0 =	simm.s32 @p2 $0x1  }
0x17: {  	s4 =	simm.s32 $0x1BF5;
	[smem:$0x3FB4] =	sst s0  }
0x18: {  	s0 =	sld [smem:$0x3F97];
	_ =	swait.ge [sflag:s4], $0x0  }
0x19: {  	s7 =	sld [smem:$0x3F98]  }
0x1a: {  	s8 =	sadd.s32 $0xFFFFE003, lr  }
0x1b: {  	s9 =	sadd.s32 $0xFFFFFEF7, lr;
	s5 =	simm.s32 $0xFFFFFFFF;
	p2 =	slt.u32 s8, $0xFFFFF086  }
0x1c: {  	p1 =	slt.u32 s9, $0xF7A;
	s5 =	simm.s32 @!p2 $0x0  }
0x1d: {  	s5 =	simm.s32 @p1 $0x1;
	p0 =	seq.s32 s7, s2  }
0x1e: {  	s7 =	smul.u32 @!p0 $0xF7A, s2;
	p2 =	seq.s32 @!p0 s5, $0x0  }
0x1f: {  	s9 =	smul.u32 $0xF7A, s1;
	s8 =	simm.s32 @!p0 $0x1BF5;
	p2 =	por !p2, p0  }
0x20: {  	[sflag:s8] =	ssyncset.s32 @!p0 $0xFFFFF086;
	s6 =	sadd.s32 @!p0 s3, s7;
	s7 =	simm.s32 @!p0 $0x108  }
0x21: {  	s3 =	sadd.s32 s3, s9;
	s6 =	sadd.s32 @!p0 $0x88, s6;
	s7 =	simm.s32 @p2 $0x1082  }
0x22: {  	[simem:s7], [sflag:s8] =	dma.local @!p0 [hbm:s6], $0xF7A  }
0x23: {  	s9 =	sor.u32 $0xD0000000, s2;
	s6 =	simm.s32 $0x108;
	_ =	swait.ge @!p0 [sflag:s8], $0x0  }
0x24: {  	s3 =	sadd.s32 $0x88, s3;
	s6 =	simm.s32 @!p1 $0x1082;
	[sflag:s4] =	ssyncset.s32 $0xFFFFF086  }
0x25: {  	[simem:s6], [sflag:s4] =	dma.local [hbm:s3], $0xF7A  }
0x26: {  	[smem:$0x3F98] =	sst s1;
	(tag) =	ssettag s2;
	_ =	strace s9  }
0x27: {  	s1 =	sld [smem:$0x3FA8]  }
0x28: {  	s2 =	sld [smem:$0x3FA9]  }
0x29: {  	s4 =	sld [smem:$0x3FAB]  }
0x2a: {  	p0 =	seq.s32 s5, $0x0;
	s5 =	sld [smem:$0x3FAC]  }
0x2b: {  	s6 =	sld [smem:$0x3FAD]  }
0x2c: {  	s7 =	sld [smem:$0x3FAE]  }
0x2d: {  	s3 =	simm.s32 $0x108;
	s8 =	sld [smem:$0x3FAF]  }
0x2e: {  	s3 =	simm.s32 @!p0 $0x1082;
	s9 =	sld [smem:$0x3FB0]  }
0x2f: {  	lr =	sadd.s32 s0, s3;
	s0 =	sld [smem:$0x3FA7]  }
0x30: {  	s3 =	sld [smem:$0x3FAA]  }
0x31: {  	[smem:$0x3FB3] =	sst s10  }
0x32: {  	s10 =	sld [smem:$0x3FB1];
	_ =	sdelay $0x3  }
0x33: {  	p0 =	seq.s32 s10, $0x1;
	s10 =	sld [smem:$0x3FB3];
	_ =	sdelay $0x3  }
0x34: {  	[smem:$0x3FB3] =	sst s10  }
0x35: {  	s10 =	sld [smem:$0x3FB2];
	_ =	sdelay $0x3  }
0x36: {  	p1 =	seq.s32 s10, $0x1;
	s10 =	sld [smem:$0x3FB3];
	_ =	sdelay $0x3  }
0x37: {  	[smem:$0x3FB3] =	sst s10  }
0x38: {  	s10 =	sld [smem:$0x3FB4]  }
0x39: {  	_ = 	snop;
	(pc) =	sbr.ind lr, $3  }
0x3a: {  	_ = 	snop  }
0x3b: {  	_ = 	snop  }
0x3c: {  	p2 =	seq.s32 s10, $0x1;
	s10 =	sld [smem:$0x3FB3]  }
0x3d: {  	_ =	shalt  }
0x3e: {  	_ =	shalt  }
0x3f: {  	_ =	shalt  }
0x40: {  	_ =	shalt  }
0x41: {  	_ =	shalt  }
0x42: {  	_ =	shalt  }
0x43: {  	_ =	shalt  }
0x44: {  	_ =	shalt  }
0x45: {  	_ =	shalt  }
0x46: {  	_ =	shalt  }
0x47: {  	_ =	shalt  }
0x48: {  	_ =	shalt  }
0x49: {  	_ =	shalt  }
0x4a: {  	_ =	shalt  }
0x4b: {  	_ =	shalt  }
0x4c: {  	_ =	shalt  }
0x4d: {  	_ =	shalt  }
0x4e: {  	_ =	shalt  }
0x4f: {  	_ =	shalt  }
0x50: {  	_ =	shalt  }
0x51: {  	_ =	shalt  }
0x52: {  	_ =	shalt  }
0x53: {  	_ =	shalt  }
0x54: {  	_ =	shalt  }
0x55: {  	_ =	shalt  }
0x56: {  	_ =	shalt  }
0x57: {  	_ =	shalt  }
0x58: {  	_ =	shalt  }
0x59: {  	_ =	shalt  }
0x5a: {  	_ =	shalt  }
0x5b: {  	_ =	shalt  }
0x5c: {  	_ =	shalt  }
0x5d: {  	_ =	shalt  }
0x5e: {  	_ =	shalt  }
0x5f: {  	_ =	shalt  }
0x60: {  	_ =	shalt  }
0x61: {  	_ =	shalt  }
0x62: {  	_ =	shalt  }
0x63: {  	_ =	shalt  }
0x64: {  	_ =	shalt  }
0x65: {  	_ =	shalt  }
0x66: {  	_ =	shalt  }
0x67: {  	_ =	shalt  }
0x68: {  	_ =	shalt  }
0x69: {  	_ =	shalt  }
0x6a: {  	_ =	shalt  }
0x6b: {  	_ =	shalt  }
0x6c: {  	_ =	shalt  }
0x6d: {  	_ =	shalt  }
0x6e: {  	_ =	shalt  }
0x6f: {  	_ =	shalt  }
0x70: {  	_ =	shalt  }
0x71: {  	_ =	shalt  }
0x72: {  	_ =	shalt  }
0x73: {  	_ =	shalt  }
0x74: {  	_ =	shalt  }
0x75: {  	_ =	shalt  }
0x76: {  	_ =	shalt  }
0x77: {  	_ =	shalt  }
0x78: {  	_ =	shalt  }
0x79: {  	_ =	shalt  }
0x7a: {  	_ =	shalt  }
0x7b: {  	_ =	shalt  }
0x7c: {  	_ =	shalt  }
0x7d: {  	_ =	shalt  }
0x7e: {  	_ =	shalt  }
0x7f: {  	_ =	shalt  }
0x80: {  	_ =	shalt  }
0x81: {  	_ =	shalt  }
0x82: {  	_ =	shalt  }
0x83: {  	_ =	shalt  }
0x84: {  	_ =	shalt  }
0x85: {  	_ =	shalt  }
0x86: {  	_ =	shalt  }
0x87: {  	_ =	shalt  }
.Lfunc_end0:
.L_simem_size_0:
called_computation_lowered:
.L_overlay_start_0:
0x88: {  	s2 =	sld [smem:$0x3FD9]  }
0x89: {  	s3 =	sld [smem:$0x3FFE];
	_ =	sdelay $0x1  }
0x8a: {  	s1 =	srdreg.scid  }
0x8b: {  	s0 =	sand.u32 $0x1, s1  }
0x8c: {  	s17 =	sshll.u32 s0, $0xA;
	s2 =	sadd.s32 s3, s2  }
0x8d: {  	s2 =	sadd.s32 s2, s17  }
0x8e: {  	[smem:$0x3FBF] =	sst s2  }
0x8f: {  	_ = 	snop  }
0x90: {  	s2 =	sld [smem:$0x3FD0];
	(tm) =	ssettm $0x1  }
0x91: {  	s18 =	sld [smem:$0x3FFB];
	_ =	sdelay $0x3  }
0x92: {  	_ =	strace s18  }
0x93: {  	s3 =	sld [smem:$0x3FFC];
	_ =	sdelay $0x3  }
0x94: {  	_ =	strace s3  }
0x95: {  	s3 =	sld [smem:$0x3FFD];
	_ =	sdelay $0x3  }
0x96: {  	_ =	strace s3  }
0x97: {  	_ =	strace $0x8FFFFFFF  }
0x98: {  	s19 =	sld [smem:$0x3FDB];
	_ =	sdelay $0x1  }
0x99: {  	s4 =	simm.s32 $_scs_section_size  }
0x9a: {  	s5 =	simm.s32 $_size__tile_overlayer_lowered;
	s6 =	simm.s32 $_tile_overlayer_lowered  }
0x9b: {  	s22 =	simm.s32 $0x1BFF;
	s21 =	sshll.u32 s6, $0x1;
	s3 =	sadd.s32 s4, s19  }
0x9c: {  	s7 =	simm.s32 $0x0;
	s20 =	sshll.u32 s5, $0x1;
	s5 =	sadd.s32 s21, s3  }
0x9d: {  	[timem:s7], [sflag:s22] =	dma.local [hbm:s5], s20  }
0x9e: {  	_ =	swait.ge [sflag:s22], s20  }
0x9f: {  	s4 =	ssub.s32 $0x0, s20;
	[sflag:s22] =	ssyncset.done $0x0  }
0xa0: {  	[sflag:s22] =	ssyncadd.s32 s4;
	_ =	sdelay $0x1  }
0xa1: {  	s23 =	simm.s32 $0x1B8B  }
0xa2: {  	_ =	swait.ge [sflag:s23], $0x1  }
0xa3: {  	[sflag:s23] =	ssyncset.done $0x0  }
0xa4: {  	s25 =	simm.s32 $0x1B8E;
	s24 =	sld [smem:$0x3FFE];
	[sflag:s23] =	ssyncadd.s32 $0xFFFFFFFF  }
0xa5: {  	s26 =	simm.s32 $execute0_lowered;
	[smem:$0x3FD2] =	sst s25  }
0xa6: {  	s5 =	sshll.u32 s26, $0x1;
	_ =	strace $0x80000046;
	[dreg:$0x1] =	wrdreg $0xFFFFFFFF  }
0xa7: {  	s28 =	simm.s32 $_size_execute0_lowered;
	s3 =	sadd.s32 s3, s5;
	[dreg:$0x0] =	wrdreg $0x0  }
0xa8: {  	s5 =	sshll.u32 s28, $0x1;
	[dreg:$0x2] =	wrdreg s3  }
0xa9: {  	[dreg:$0x3] =	wrdreg s5  }
0xaa: {  	[dreg:$0x4] =	wrdreg $0xC0  }
0xab: {  	_ =	task [dreg:s7], $0x5FFFF  }
0xac: {  	[dreg:$0x1] =	wrdreg $0xFFFFFFFF  }
0xad: {  	[dreg:$0x0] =	wrdreg $0x60  }
0xae: {  	[dreg:$0x2] =	wrdreg s24  }
0xaf: {  	[dreg:$0x3] =	wrdreg s2  }
0xb0: {  	[dreg:$0x4] =	wrdreg $0x30000  }
0xb1: {  	[dreg:$0x5] =	wrdreg $0x9  }
0xb2: {  	_ =	task.clear_ibuf [dreg:s7], $0x6FFFF;
	_ =	strace $0x90000046  }
0xb3: {  	s29 =	simm.s32 $0x9;
	_ =	strace $0x80000048  }
0xb4: {  	_ =	swait.ge [sflag:s29], $0x1  }
0xb5: {  	[sflag:s29] =	ssyncadd.s32 $0xFFFFFFFF  }
0xb6: {  	_ =	strace $0x90000048  }
0xb7: {  	_ =	sfence  }
0xb8: {  	s30 =	sld [smem:$0x0];
	_ =	sdelay $0x2  }
0xb9: {  	s31 =	sshll.u32 s1, $0xD;
	s1 =	sshrl.u32 s1, $0x2  }
0xba: {  	s3 =	sand.u32 $0x4000, s31;
	s1 =	sadd.s32 s1, s30  }
0xbb: {  	s0 =	sor.u32 s3, s0;
	s1 =	sshll.u32 s1, $0x11  }
0xbc: {  	s0 =	sor.u32 s1, s0  }
0xbd: {  	s0 =	sadd.s32 $0x8F2B, s0  }
0xbe: {  	[sflag:s0] =	ssyncadd.remote.s32 $0x1  }
0xbf: {  	_ =	sfence.sel $0xFFFF  }
0xc0: {  	[dreg:$0x0] =	wrdreg $0xFFFFFFFF;
	(pc) =	sbr.abs _section_cstart, $3  }
0xc1: {  	[dreg:$0x1] =	wrdreg $0xFFFFFFFF  }
0xc2: {  	_ =	task.clear_ibuf [dreg:s7], $0x2FFFF;
	_ =	strace $0x9FFFFFFF  }
0xc3: {  	(tm) =	ssettm $0x7FFFFFFF  }
tec
execute0_lowered:
.L_overlay_start_1:
0x0: {  	(tag) =	ssettag $0x1  }
0x1: {  	s8 =	rddreg [dreg:$0x0]  }
0x2: {  	s1 =	rddreg [dreg:$0x1]  }
0x3: {  	s2 =	rddreg [dreg:$0x2]  }
0x4: {  	s3 =	srdreg.scid;
	s0 =	rddreg [dreg:$0x3];
	s4 =	simm.s32 $0x0  }
0x5: {  	s16 =	simm.s32 $0x80;
	s19 =	simm.s32 $0x0;
	s9 =	sand.u32 $0x1, s3  }
0x6: {  	s3 =	stileid.u32;
	[smem:$0x7FF] =	sst s4;
	s18 =	sadd.s32 $0x27000, s2  }
0x7: {  	s5 =	sshll.u32 s9, $0x4;
	_ =	strace $0x80000047;
	s11 =	smul.u32 $0x9C40, s3  }
0x8: {  	s10 =	ssub.s32 $0x2, s9;
	s14 =	smul.u32 $0x2700, s3;
	p0 =	seq.s32 s9, $0x1  }
0x9: {  	s31 =	sshll.u32 s3, $0x6;
	p1 =	sne.s32 s3, $0xF;
	s18 =	sshrl.u32 s18, $0x3  }
0xa: {  	p2 =	seq.s32 s3, $0xF;
	s6 =	sor.u32 s3, s5;
	s5 =	sadd.s32 $0x18400, s8  }
0xb: {  	s12 =	sshrl.u32 s10, $0x1;
	s7 =	smul.u32 $0x2800, s6;
	s6 =	sadd.s32 $0x1DA00, s8  }
0xc: {  	s12 =	ssub.s32 s10, s12;
	s29 =	sshrl.u32 s11, $0x2;
	s30 =	sshrl.u32 s14, $0x3  }
.Ltmp0:
0xd: {  	s17 =	sadd.s32 s14, s2;
	s14 =	sor.u32 $0x1C01, s31;
	(pc) =	sbr.rel .LBB2_1-.Ltmp0, $4  }
0xe: {  	s15 =	sadd.s32 s29, s2;
	s9 =	sadd.s32 s6, s30;
	s11 =	smax.u32 s12, $0x1  }
0xf: {  	s12 =	simm.s32 $0x1;
	s17 =	sshrl.u32 s17, $0x3;
	s13 =	sshrl.u32 s7, $0x3  }
0x10: {  	s7 =	sadd.s32 $0x18A00, s8;
	s15 =	sshrl.u32 s15, $0x3;
	s8 =	sadd.s32 s8, s13  }
0x11: {  	s10 =	sadd.s32 s7, s30;
	s13 =	simm.s32 $0x2800;
	s8 =	sadd.s32 $0xE400, s8  }
.LBB2_6:
0x12: {  	s20 =	sadd.s32 $0x4E00, s20  }
0x13: {  	[hbm:s20], [sflag:s14] =	dma.local [spmem:s18], $0x20  }
0x14: {  	_ =	swait.ge [sflag:s12], $0x20  }
0x15: {  	[sflag:s12] =	ssyncset.done $0x0  }
0x16: {  	[sflag:s12] =	ssyncadd.s32 $0xFFFFFFE0  }
.LBB2_7:
0x17: {  	s19 =	sadd.s32 $0x1, s19  }
0x18: {  	p3 =	sne.s32 s19, s11  }
.Ltmp1:
0x19: {  	_ = 	snop;
	(pc) =	sbr.rel @!p3 .LBB2_8-.Ltmp1, $1  }
0x1a: {  	_ =	sdelay $0x3  }
.LBB2_1:
0x1b: {  	[tilespmem:s4], [sflag:$0x1] =	stream.linear.gather [hbm4b:s8+s4], $0x2800, $0x38;
	[tilespmem:$0x5710] =	vst v63  }
0x1c: {  	_ =	swait.ge [sflag:s12], $0x2800  }
0x1d: {  	[sflag:s12] =	ssyncset.done $0x0  }
0x1e: {  	[sflag:s12] =	ssyncadd.s32 $0xFFFFD800  }
0x1f: {  	[tilespmem:s13], [sflag:$0x1] =	stream.linear.gather [hbm4b:s1+s4], $0x800, $0x38;
	[tilespmem:$0x5710] =	vst v63  }
0x20: {  	_ =	swait.ge [sflag:s12], $0x800  }
0x21: {  	[sflag:s12] =	ssyncset.done $0x0  }
0x22: {  	[sflag:s12] =	ssyncadd.s32 $0xFFFFF800  }
0x23: {  	[spmem:s15], [sflag:s14] =	dma.local [hbm:s5], $0x4E2  }
0x24: {  	_ =	swait.ge [sflag:s12], $0x4E2  }
0x25: {  	[sflag:s12] =	ssyncset.done $0x0  }
0x26: {  	[sflag:s12] =	ssyncadd.s32 $0xFFFFFB1E  }
0x27: {  	s20 =	simm.s32 $0x0;
	[bflag:$0x0] =	sbarrier.arrive $0xFFFF  }
0x28: {  	[spmem:s2] =	stream.indirect.scatter.add.f32 [tilespmem:s13], [sflag:$0x1], $0x10, s20, s16, $0xb8;
	[tilespmem:$0x5710] =	vst v63  }
0x29: {  	_ =	swait.ge [sflag:s12], $0x800  }
0x2a: {  	s20 =	simm.s32 $0x200;
	[sflag:s12] =	ssyncset.done $0x0  }
.LBB2_2:
0x2b: {  	s21 =	sshra.s32 s20, $0x2;
	[sflag:s12] =	ssyncadd.s32 $0xFFFFF800;
	p3 =	sne.s32 s20, $0x9E00  }
0x2c: {  	[spmem:s2] =	stream.indirect.scatter.add.f32 [tilespmem:s13], [sflag:$0x1], $0x10, s21, s16, $0xb8;
	[tilespmem:$0x5710] =	vst v63  }
.Ltmp2:
0x2d: {  	_ = 	snop;
	(pc) =	sbr.rel @p3 .LBB2_2-.Ltmp2, $4  }
0x2e: {  	_ = 	snop  }
0x2f: {  	s20 =	sadd.s32 $0x200, s20  }
0x30: {  	_ =	swait.ge [sflag:s12], $0x800  }
0x31: {  	[sflag:s12] =	ssyncset.done $0x0  }
.Ltmp3:
0x32: {  	(pc) =	sbr.rel @!p0 .LBB2_4-.Ltmp3, $3  }
0x33: {  	_ = 	snop  }
0x34: {  	[sflag:s12] =	ssyncadd.s32 $0xFFFFF800  }
0x35: {  	[bflag:$0x0] =	sbarrier.arrive $0xFFFF;
	_ =	sdelay $0x1  }
0x36: {  	[hbm:s10], [sflag:s14] =	dma.local [spmem:s17], $0x4E0  }
.Ltmp4:
0x37: {  	_ = 	snop;
	(pc) =	sbr.rel @p1 .LBB2_7-.Ltmp4, $4  }
.Ltmp5:
0x38: {  	_ = 	snop;
	(pc) =	sbr.rel @!p1 .LBB2_6-.Ltmp5, $4  }
0x39: {  	_ =	swait.ge [sflag:s12], $0x4E0  }
0x3a: {  	[sflag:s12] =	ssyncset.done $0x0  }
0x3b: {  	s20 =	smov.u32 s7;
	[sflag:s12] =	ssyncadd.s32 $0xFFFFFB20  }
0x3c: {  	_ = 	snop  }
.LBB2_4:
0x3d: {  	[hbm:s9], [sflag:s14] =	dma.local [spmem:s17], $0x4E0  }
.Ltmp6:
0x3e: {  	_ = 	snop;
	(pc) =	sbr.rel @p2 .LBB2_6-.Ltmp6, $4  }
.Ltmp7:
0x3f: {  	_ = 	snop;
	(pc) =	sbr.rel @!p2 .LBB2_7-.Ltmp7, $4  }
0x40: {  	_ =	swait.ge [sflag:s12], $0x4E0  }
0x41: {  	[sflag:s12] =	ssyncset.done $0x0  }
0x42: {  	s20 =	smov.u32 s6;
	[sflag:s12] =	ssyncadd.s32 $0xFFFFFB20  }
0x43: {  	_ = 	snop  }
.LBB2_8:
0x44: {  	_ =	sfence.sel $0x180000  }
0x45: {  	[bflag:$0x0] =	sbarrier.arrive $0xFFFF  }
0x46: {  	p0 =	sne.s32 s3, $0x0;
	_ =	strace $0x90000047  }
0x47: {  	s0 =	sadd.s32 @!p0 $0x100000, s0;
	[bflag:$0x2] =	sbarrier.arrive $0xFFFF  }
0x48: {  	[sflag:s0] =	ssyncadd.tile.s32 @!p0 $0x1;
	_ =	shalt  }
.Lfunc_end2:
_tile_overlayer_lowered:
.L_overlay_start_2:
0x49: {  	(tag) =	ssettag $0x2  }
0x4a: {  	s0 =	rddreg [dreg:$0x0];
	s2 =	stileid.u32  }
0x4b: {  	s1 =	rddreg [dreg:$0x1];
	p0 =	sne.s32 s2, $0x0  }
0x4c: {  	s3 =	rddreg [dreg:$0x2];
	[bflag:$0x3] =	sbarrier.arrive $0xFFFF;
	s2 =	simm.s32 @!p0 $0x1C01  }
0x4d: {  	[timem:s3], [sflag:s2] =	dma.local @!p0 [hbm:s0], s1  }
0x4e: {  	s0 =	simm.s32 @!p0 $0x1  }
0x4f: {  	_ =	swait.ge @!p0 [sflag:s0], s1  }
0x50: {  	s1 =	ssub.s32 @!p0 $0x0, s1;
	[sflag:s0] =	ssyncset.done @!p0 $0x0  }
0x51: {  	[sflag:s0] =	ssyncadd.s32 @!p0 s1  }
0x52: {  	[bflag:$0x3] =	sbarrier.arrive $0xFFFF  }
0x53: {  	_ =	shalt  }

</sc_bundles>
